<compile_context>
chip_gen: v7x
topology: tpu7x:2x2x1
jax: 0.10.2.dev20260603
libtpu: 0.0.44.dev20260713+nightly
codegen_flags: <defaults>
</compile_context>

<pallas_src>
import functools

import jax
import jax.numpy as jnp
from jax import lax
from jax.experimental import pallas as pl
from jax.experimental.pallas import tpu as pltpu
from jax.experimental.pallas import tpu_sc as plsc

N_SRC = 4096
N_QRY = 16384
C_IN = 32
B = 4
EPS = 1e-5

SRC_PER_B = N_SRC // B
QRY_PER_B = N_QRY // B
QB = 1024
QBLKS_PER_B = QRY_PER_B // QB
K = 3

NC, NS = 2, 16
NW = NC * NS
N_IDX = N_QRY * K
IDX_PER_W = N_IDX // NW
CHUNK = 128
N_CHUNKS = IDX_PER_W // CHUNK


def _knn_body(q_ref, s_ref, pk_ref):
    b = pl.program_id(0)
    qx = q_ref[:, 1:2]
    qy = q_ref[:, 2:3]
    qz = q_ref[:, 3:4]
    sT = s_ref[...].T
    sx = sT[1:2, :]
    sy = sT[2:3, :]
    sz = sT[3:4, :]
    d2 = (qx - sx) ** 2 + (qy - sy) ** 2 + (qz - sz) ** 2

    iota = lax.broadcasted_iota(
        jnp.int32, (1, SRC_PER_B), 1).astype(jnp.float32)
    d = d2
    vals = []
    idxs = []
    for k in range(K):
        vk = jnp.min(d, axis=1, keepdims=True)
        ik = jnp.min(jnp.where(d == vk, iota, jnp.float32(SRC_PER_B)),
                     axis=1, keepdims=True)
        vals.append(vk)
        idxs.append(ik)
        if k < K - 1:
            d = jnp.where(iota == ik, jnp.float32(jnp.inf), d)

    dist = [jnp.maximum(v, jnp.float32(1e-10)) for v in vals]
    w = [1.0 / dv for dv in dist]
    wsum = w[0] + w[1] + w[2]
    wn = [wi / wsum for wi in w]

    off = jnp.float32(b * SRC_PER_B)
    zeros1 = jnp.zeros((QB, 1), jnp.float32)
    m = jnp.concatenate(
        [wn[0], wn[1], wn[2],
         idxs[0] + off, idxs[1] + off, idxs[2] + off,
         zeros1, zeros1], axis=1)
    pk_ref[...] = m.T


def _knn_call(query_bxyz, point_bxyz):
    return pl.pallas_call(
        _knn_body,
        grid=(B, QBLKS_PER_B),
        in_specs=[
            pl.BlockSpec((QB, 4), lambda b, i: (b * QBLKS_PER_B + i, 0)),
            pl.BlockSpec((SRC_PER_B, 4), lambda b, i: (b, 0)),
        ],
        out_specs=pl.BlockSpec((8, QB),
                               lambda b, i: (0, b * QBLKS_PER_B + i)),
        out_shape=jax.ShapeDtypeStruct((8, N_QRY), jnp.float32),
    )(query_bxyz, point_bxyz)


QRY_PER_W = N_QRY // NW


def _sc_gather_body(pk_hbm, table_hbm, out_hbm, pk_v, glist, rows_v, out_v,
                    *sems):
    wid = lax.axis_index("s") * NC + lax.axis_index("c")
    qbase = wid * QRY_PER_W
    pltpu.sync_copy(pk_hbm.at[:, pl.ds(qbase, QRY_PER_W)], pk_v)

    lane = lax.iota(jnp.int32, 16)

    def build(g, _):
        qv = lane + g * 16
        for k in range(K):
            vals = plsc.load_gather(pk_v, [lane * 0 + (3 + k), qv])
            row = k * (QRY_PER_W // CHUNK)
            glist[(g // 8) + row, pl.ds((g % 8) * 16, 16)] = (
                vals.astype(jnp.int32))
        return 0

    lax.fori_loop(0, QRY_PER_W // 16, build, 0)

    n_grp = QRY_PER_W // CHUNK
    copies = []
    for j in range(n_grp):
        for k in range(K):
            c = k * n_grp + j
            copies.append(pltpu.async_copy(
                table_hbm.at[glist.at[c]],
                rows_v.at[pl.ds(c * CHUNK, CHUNK)],
                sems[j]))

    def interp(q, _):
        acc0 = jnp.zeros((16,), jnp.float32)
        acc1 = jnp.zeros((16,), jnp.float32)
        for k in range(K):
            wv = plsc.load_gather(pk_v, [lane * 0 + k, lane * 0 + q])
            r = k * QRY_PER_W + q
            acc0 += wv * rows_v[r, pl.ds(0, 16)]
            acc1 += wv * rows_v[r, pl.ds(16, 16)]
        out_v[q, pl.ds(0, 16)] = acc0
        out_v[q, pl.ds(16, 16)] = acc1
        return 0

    for j in range(n_grp):
        for k in range(K):
            copies[j * K + k].wait()
        lax.fori_loop(j * CHUNK, (j + 1) * CHUNK, interp, 0)
    pltpu.sync_copy(out_v, out_hbm.at[pl.ds(qbase, QRY_PER_W)])


def _gather_sc(pk, point_feat):
    mesh = plsc.VectorSubcoreMesh(core_axis_name="c", subcore_axis_name="s")
    return pl.kernel(
        _sc_gather_body,
        out_type=jax.ShapeDtypeStruct((N_QRY, C_IN), jnp.float32),
        mesh=mesh,
        scratch_types=[
            pltpu.VMEM((8, QRY_PER_W), jnp.float32),
            pltpu.VMEM((N_CHUNKS, CHUNK), jnp.int32),
            pltpu.VMEM((IDX_PER_W, C_IN), jnp.float32),
            pltpu.VMEM((QRY_PER_W, C_IN), jnp.float32),
            pltpu.SemaphoreType.DMA,
            pltpu.SemaphoreType.DMA,
            pltpu.SemaphoreType.DMA,
            pltpu.SemaphoreType.DMA,
        ],
        compiler_params=pltpu.CompilerParams(use_tc_tiling_on_sc=False,
                                             needs_layout_passes=False),
    )(pk, point_feat)


MQB = 4096
NBLK = N_QRY // MQB


def _mlp_body(in_ref, W1_ref, b1_ref, g1_ref, be1_ref,
              W2_ref, b2_ref, g2_ref, be2_ref, out_ref,
              h1v, h2v, st_ref):
    p = pl.program_id(0)
    i = pl.program_id(1)
    inv_n = jnp.float32(1.0 / N_QRY)
    rows = pl.ds(i * MQB, MQB)

    @pl.when(p == 0)
    def _phase0():
        @pl.when(i == 0)
        def _init():
            st_ref[...] = jnp.zeros_like(st_ref)

        h1 = jnp.dot(in_ref[...], W1_ref[...],
                     preferred_element_type=jnp.float32) + b1_ref[...]
        h1v[rows, :] = h1
        st_ref[0:1, :] += jnp.sum(h1, axis=0, keepdims=True)
        st_ref[1:2, :] += jnp.sum(h1 * h1, axis=0, keepdims=True)

    @pl.when(p == 1)
    def _phase1():
        mu = st_ref[0:1, :] * inv_n
        var = st_ref[1:2, :] * inv_n - mu * mu
        hn = (h1v[rows, :] - mu) / jnp.sqrt(var + EPS) * g1_ref[...] \
            + be1_ref[...]
        hn = jnp.maximum(hn, 0.0)
        h2 = jnp.dot(hn, W2_ref[...],
                     preferred_element_type=jnp.float32) + b2_ref[...]
        h2v[rows, :] = h2

        @pl.when(i == 0)
        def _init2():
            st_ref[2:3, :] = jnp.zeros_like(st_ref[2:3, :])
            st_ref[3:4, :] = jnp.zeros_like(st_ref[3:4, :])

        st_ref[2:3, :] += jnp.sum(h2, axis=0, keepdims=True)
        st_ref[3:4, :] += jnp.sum(h2 * h2, axis=0, keepdims=True)

    @pl.when(p == 2)
    def _phase2():
        mu = st_ref[2:3, :] * inv_n
        var = st_ref[3:4, :] * inv_n - mu * mu
        hn = (h2v[rows, :] - mu) / jnp.sqrt(var + EPS) * g2_ref[...] \
            + be2_ref[...]
        out_ref[...] = jnp.maximum(hn, 0.0)


def _mlp_call(interp, W1, b1r, g1r, be1r, W2, b2r, g2r, be2r, F1, F2):
    vec1 = lambda p, i: (0, 0)
    return pl.pallas_call(
        _mlp_body,
        grid=(3, NBLK),
        in_specs=[
            pl.BlockSpec((MQB, C_IN),
                         lambda p, i: (jnp.where(p == 0, i, 0), 0)),
            pl.BlockSpec((C_IN, F1), vec1),
            pl.BlockSpec((1, F1), vec1),
            pl.BlockSpec((1, F1), vec1),
            pl.BlockSpec((1, F1), vec1),
            pl.BlockSpec((F1, F2), vec1),
            pl.BlockSpec((1, F2), vec1),
            pl.BlockSpec((1, F2), vec1),
            pl.BlockSpec((1, F2), vec1),
        ],
        out_specs=pl.BlockSpec((MQB, F2),
                               lambda p, i: (jnp.where(p == 2, i, 0), 0)),
        out_shape=jax.ShapeDtypeStruct((N_QRY, F2), jnp.float32),
        scratch_shapes=[
            pltpu.VMEM((N_QRY, F1), jnp.float32),
            pltpu.VMEM((N_QRY, F2), jnp.float32),
            pltpu.VMEM((4, F1), jnp.float32),
        ],
    )(interp, W1, b1r, g1r, be1r, W2, b2r, g2r, be2r)


@jax.jit
def kernel(point_bxyz, point_feat, query_bxyz, W1, b1, g1, be1, W2, b2, g2, be2):
    F1 = W1.shape[1]
    F2 = W2.shape[1]
    pk = _knn_call(query_bxyz, point_bxyz)
    interp = _gather_sc(pk, point_feat)
    return _mlp_call(interp, W1, b1.reshape(1, F1), g1.reshape(1, F1),
                     be1.reshape(1, F1), W2, b2.reshape(1, F2),
                     g2.reshape(1, F2), be2.reshape(1, F2), F1, F2)

# --- scband reference (transcript-rebuilt; emitter-appended) ---
"""Pipeline reference for scband-point-net2-post-processor-67997922230604 (READ-ONLY COPY).

The authoritative reference and input builder live on the scoring server;
editing this copy changes nothing except your own understanding.
"""

import jax, jax.numpy as jnp
import numpy as np

N_SRC = 4096
N_QRY = 16384
C_IN = 32
B = 4
FP = [64, 64]
EPS = 1e-5


def setup_inputs(seed: int = 0) -> dict:
    key = jax.random.key(seed)
    ks = jax.random.split(key, 8)
    src_xyz = jax.random.uniform(ks[0], (N_SRC, 3), dtype=jnp.float32) * 10.0
    src_b = jnp.repeat(jnp.arange(B, dtype=jnp.float32), N_SRC // B)[:, None]
    point_bxyz = jnp.concatenate([src_b, src_xyz], axis=-1)
    point_feat = jax.random.normal(ks[1], (N_SRC, C_IN), dtype=jnp.float32)
    q_xyz = jax.random.uniform(ks[2], (N_QRY, 3), dtype=jnp.float32) * 10.0
    q_b = jnp.repeat(jnp.arange(B, dtype=jnp.float32), N_QRY // B)[:, None]
    query_bxyz = jnp.concatenate([q_b, q_xyz], axis=-1)
    W1 = jax.random.normal(ks[3], (C_IN, FP[0]), dtype=jnp.float32) / np.sqrt(C_IN)
    b1 = jnp.zeros((FP[0],), dtype=jnp.float32)
    g1 = jnp.ones((FP[0],), dtype=jnp.float32)
    be1 = jnp.zeros((FP[0],), dtype=jnp.float32)
    W2 = jax.random.normal(ks[4], (FP[0], FP[1]), dtype=jnp.float32) / np.sqrt(FP[0])
    b2 = jnp.zeros((FP[1],), dtype=jnp.float32)
    g2 = jnp.ones((FP[1],), dtype=jnp.float32)
    be2 = jnp.zeros((FP[1],), dtype=jnp.float32)
    return {"point_bxyz": point_bxyz, "point_feat": point_feat, "query_bxyz": query_bxyz,
            "W1": W1, "b1": b1, "g1": g1, "be1": be1,
            "W2": W2, "b2": b2, "g2": g2, "be2": be2}


def _bn_relu(h, g, be):
    mu = jnp.mean(h, axis=0, keepdims=True)
    var = jnp.var(h, axis=0, keepdims=True)
    h = (h - mu) / jnp.sqrt(var + EPS) * g + be
    return jax.nn.relu(h)


def _forward(point_bxyz, point_feat, query_bxyz, W1, b1, g1, be1, W2, b2, g2, be2):
    src_xyz = point_bxyz[:, 1:4]
    src_b = point_bxyz[:, 0]
    q_xyz = query_bxyz[:, 1:4]
    q_b = query_bxyz[:, 0]
    # batch-aware squared distances: cross-batch pairs pushed to +inf-like values
    d2 = jnp.sum((q_xyz[:, None, :] - src_xyz[None, :, :]) ** 2, axis=-1)
    d2 = d2 + (q_b[:, None] - src_b[None, :]) ** 2 * 1e10
    neg_d, idx = jax.lax.top_k(-d2, 3)  # 3 nearest neighbors per query
    dist = jnp.maximum(-neg_d, 1e-10)
    w = 1.0 / dist
    w = w / jnp.sum(w, axis=-1, keepdims=True)
    nbr_feat = jnp.take(point_feat, idx, axis=0)  # [Q, 3, C]
    interp = jnp.sum(w[:, :, None] * nbr_feat, axis=1)  # [Q, C]
    h = _bn_relu(interp @ W1 + b1, g1, be1)
    h = _bn_relu(h @ W2 + b2, g2, be2)
    return h


def reference(point_bxyz, point_feat, query_bxyz, W1, b1, g1, be1, W2, b2, g2, be2):
    return _forward(point_bxyz, point_feat, query_bxyz, W1, b1, g1, be1, W2, b2, g2, be2)

if __name__ == "__main__":
    import jax
    _d = setup_inputs()
    print(jax.jit(kernel)(*tuple(_d.values())))

</pallas_src>

<mosaic_0001>
#map = affine_map<(d0, d1) -> (0, 0)>
module attributes {stable_mosaic.version = 14 : i64} {
  func.func @_sc_gather_body(%arg0: i32, %arg1: i32, %arg2: memref<8x16384xf32, #tpu.memory_space<hbm>>, %arg3: memref<4096x32xf32, #tpu.memory_space<hbm>>, %arg4: memref<16384x32xf32, #tpu.memory_space<hbm>>, %arg5: memref<8x512xf32, #tpu.memory_space<vmem>>, %arg6: memref<12x128xi32, #tpu.memory_space<vmem>>, %arg7: memref<1536x32xf32, #tpu.memory_space<vmem>>, %arg8: memref<512x32xf32, #tpu.memory_space<vmem>>, %arg9: memref<!tpu.dma_semaphore, #tpu.memory_space<semaphore_mem>>, %arg10: memref<!tpu.dma_semaphore, #tpu.memory_space<semaphore_mem>>, %arg11: memref<!tpu.dma_semaphore, #tpu.memory_space<semaphore_mem>>, %arg12: memref<!tpu.dma_semaphore, #tpu.memory_space<semaphore_mem>>) attributes {dimension_semantics = [#tpu.dimension_semantics<core_parallel>, #tpu.dimension_semantics<subcore_parallel>], iteration_bounds = array<i64: 2, 16>, scalar_prefetch = 0 : i64, scratch_operands = 8 : i64, tpu.core_type = #tpu.core_type<sc_vector_subcore>, window_params = [{transform_indices = #map}, {transform_indices = #map}, {transform_indices = #map}]} {
    %mul3A = arith.constant 2 : i32
    %mul3A_0 = arith.muli %arg1, %mul3A : i32
    %add3A = arith.addi %mul3A_0, %arg0 : i32
    %mul3A_1 = arith.constant 512 : i32
    %mul3A_2 = arith.muli %add3A, %mul3A_1 : i32
    "tpu.region"() ({
      %run_scoped3A = tpu.sem_alloc : memref<!tpu.dma_semaphore, #tpu.memory_space<semaphore_mem>>
      %dma_start3A_275 = arith.constant 0 : i32
      %dma_start3A_276 = tpu.memref_slice %arg2[%dma_start3A_275, %mul3A_2] : memref<8x16384xf32, #tpu.memory_space<hbm>> -> memref<8x512xf32, #tpu.memory_space<hbm>>
      %dma_start3A_277 = arith.constant 0 : i32
      %dma_start3A_278 = tpu.memref_slice %arg2[%dma_start3A_277, %mul3A_2] : memref<8x16384xf32, #tpu.memory_space<hbm>> -> memref<8x512xf32, #tpu.memory_space<hbm>>
      tpu.enqueue_dma source(%dma_start3A_278 : memref<8x512xf32, #tpu.memory_space<hbm>>) target(%arg5 : memref<8x512xf32, #tpu.memory_space<vmem>>) target_semaphore(%run_scoped3A : memref<!tpu.dma_semaphore, #tpu.memory_space<semaphore_mem>>)
      %dma_wait3A_279 = arith.constant 0 : i32
      %dma_wait3A_280 = tpu.memref_slice %arg2[%dma_wait3A_279, %mul3A_2] : memref<8x16384xf32, #tpu.memory_space<hbm>> -> memref<8x512xf32, #tpu.memory_space<hbm>>
      %dma_wait3A_281 = arith.constant 0 : i32
      %dma_wait3A_282 = tpu.memref_slice %arg2[%dma_wait3A_281, %mul3A_2] : memref<8x16384xf32, #tpu.memory_space<hbm>> -> memref<8x512xf32, #tpu.memory_space<hbm>>
      tpu.wait_dma2 semaphore(%run_scoped3A : memref<!tpu.dma_semaphore, #tpu.memory_space<semaphore_mem>>) src(%dma_wait3A_282 : memref<8x512xf32, #tpu.memory_space<hbm>>) dst(%arg5 : memref<8x512xf32, #tpu.memory_space<vmem>>)
      tpu.yield
    }) : () -> ()
    %iota3A = tpu.iota {dimensions = array<i32: 0>} : vector<16xi32>
    %scan3A = arith.constant 0 : i32
    %scan3A_3 = arith.constant 0 : i32
    %scan3A_4 = arith.constant 32 : i32
    %scan3A_5 = arith.addi %scan3A_3, %scan3A_4 : i32
    %scan3A_6 = arith.constant 1 : i32
    %scan3A_7 = scf.for %scan3A_275 = %scan3A_3 to %scan3A_5 step %scan3A_6 iter_args(%scan3A_276 = %scan3A) -> (i32)  : i32 {
      %mul3A_277 = arith.constant 16 : i32
      %mul3A_278 = arith.muli %scan3A_275, %mul3A_277 : i32
      %add3A_279 = vector.broadcast %mul3A_278 : i32 to vector<16xi32>
      %add3A_280 = arith.addi %iota3A, %add3A_279 : vector<16xi32>
      %mul3A_281 = arith.constant 0 : i32
      %mul3A_282 = vector.broadcast %mul3A_281 : i32 to vector<16xi32>
      %mul3A_283 = arith.muli %iota3A, %mul3A_282 : vector<16xi32>
      %add3A_284 = arith.constant 3 : i32
      %add3A_285 = vector.broadcast %add3A_284 : i32 to vector<16xi32>
      %add3A_286 = arith.addi %mul3A_283, %add3A_285 : vector<16xi32>
      %gather3A = tpu.vector_load_idx %arg5[%add3A_286, %add3A_280] : memref<8x512xf32, #tpu.memory_space<vmem>>[vector<16xi32>, vector<16xi32>], vector<16xf32>,
      %convert_element_type3A = arith.fptosi %gather3A : vector<16xf32> to vector<16xi32>
      %jit3A = arith.constant 8 : i32
      %div3A = arith.divsi %scan3A_275, %jit3A : i32
      %sign3A = arith.constant 0 : i32
      %sign3A_287 = arith.cmpi sgt, %scan3A_275, %sign3A : i32
      %sign3A_288 = arith.extui %sign3A_287 : i1 to i32
      %sign3A_289 = arith.constant 0 : i32
      %sign3A_290 = arith.cmpi slt, %scan3A_275, %sign3A_289 : i32
      %sign3A_291 = arith.extui %sign3A_290 : i1 to i32
      %sign3A_292 = arith.subi %sign3A_288, %sign3A_291 : i32
      %sign3A_293 = arith.constant 0 : i32
      %sign3A_294 = arith.cmpi sgt, %jit3A, %sign3A_293 : i32
      %sign3A_295 = arith.extui %sign3A_294 : i1 to i32
      %sign3A_296 = arith.constant 0 : i32
      %sign3A_297 = arith.cmpi slt, %jit3A, %sign3A_296 : i32
      %sign3A_298 = arith.extui %sign3A_297 : i1 to i32
      %sign3A_299 = arith.subi %sign3A_295, %sign3A_298 : i32
      %ne3A = arith.cmpi ne, %sign3A_292, %sign3A_299 : i32
      %rem3A = arith.remsi %scan3A_275, %jit3A : i32
      %ne3A_300 = arith.constant 0 : i32
      %ne3A_301 = arith.cmpi ne, %rem3A, %ne3A_300 : i32
      %and3A = arith.andi %ne3A, %ne3A_301 : i1
      %sub3A = arith.constant 1 : i32
      %sub3A_302 = arith.subi %div3A, %sub3A : i32
      %select_n3A = arith.select %and3A, %sub3A_302, %div3A : i32
      %add3A_303 = arith.constant 0 : i32
      %add3A_304 = arith.addi %select_n3A, %add3A_303 : i32
      %jit3A_305 = arith.constant 8 : i32
      %eq3A = arith.constant 0 : i32
      %eq3A_306 = arith.cmpi eq, %jit3A_305, %eq3A : i32
      %jit3A_307 = arith.constant 1 : i32
      %select_n3A_308 = arith.select %eq3A_306, %jit3A_307, %jit3A_305 : i32
      %rem3A_309 = arith.remsi %scan3A_275, %select_n3A_308 : i32
      %ne3A_310 = arith.constant 0 : i32
      %ne3A_311 = arith.cmpi ne, %rem3A_309, %ne3A_310 : i32
      %lt3A = arith.constant 0 : i32
      %lt3A_312 = arith.cmpi slt, %rem3A_309, %lt3A : i32
      %lt3A_313 = arith.constant 0 : i32
      %lt3A_314 = arith.cmpi slt, %select_n3A_308, %lt3A_313 : i32
      %ne3A_315 = arith.xori %lt3A_312, %lt3A_314 : i1
      %and3A_316 = arith.andi %ne3A_315, %ne3A_311 : i1
      %add3A_317 = arith.addi %rem3A_309, %select_n3A_308 : i32
      %select_n3A_318 = arith.select %and3A_316, %add3A_317, %rem3A_309 : i32
      %mul3A_319 = arith.constant 16 : i32
      %mul3A_320 = arith.muli %select_n3A_318, %mul3A_319 : i32
      %swap3A = arith.index_cast %add3A_304 : i32 to index
      %swap3A_321 = arith.index_cast %mul3A_320 : i32 to index
      %swap3A_322 = tpu.vector_load %arg6[%swap3A, %swap3A_321] {strides = array<i32>} : memref<12x128xi32, #tpu.memory_space<vmem>>, vector<16xi32>,
      tpu.vector_store %arg6[%swap3A, %swap3A_321], %convert_element_type3A {strides = array<i32>} : memref<12x128xi32, #tpu.memory_space<vmem>>, vector<16xi32>,
      %mul3A_323 = arith.constant 0 : i32
      %mul3A_324 = vector.broadcast %mul3A_323 : i32 to vector<16xi32>
      %mul3A_325 = arith.muli %iota3A, %mul3A_324 : vector<16xi32>
      %add3A_326 = arith.constant 4 : i32
      %add3A_327 = vector.broadcast %add3A_326 : i32 to vector<16xi32>
      %add3A_328 = arith.addi %mul3A_325, %add3A_327 : vector<16xi32>
      %gather3A_329 = tpu.vector_load_idx %arg5[%add3A_328, %add3A_280] : memref<8x512xf32, #tpu.memory_space<vmem>>[vector<16xi32>, vector<16xi32>], vector<16xf32>,
      %convert_element_type3A_330 = arith.fptosi %gather3A_329 : vector<16xf32> to vector<16xi32>
      %jit3A_331 = arith.constant 8 : i32
      %div3A_332 = arith.divsi %scan3A_275, %jit3A_331 : i32
      %sign3A_333 = arith.constant 0 : i32
      %sign3A_334 = arith.cmpi sgt, %scan3A_275, %sign3A_333 : i32
      %sign3A_335 = arith.extui %sign3A_334 : i1 to i32
      %sign3A_336 = arith.constant 0 : i32
      %sign3A_337 = arith.cmpi slt, %scan3A_275, %sign3A_336 : i32
      %sign3A_338 = arith.extui %sign3A_337 : i1 to i32
      %sign3A_339 = arith.subi %sign3A_335, %sign3A_338 : i32
      %sign3A_340 = arith.constant 0 : i32
      %sign3A_341 = arith.cmpi sgt, %jit3A_331, %sign3A_340 : i32
      %sign3A_342 = arith.extui %sign3A_341 : i1 to i32
      %sign3A_343 = arith.constant 0 : i32
      %sign3A_344 = arith.cmpi slt, %jit3A_331, %sign3A_343 : i32
      %sign3A_345 = arith.extui %sign3A_344 : i1 to i32
      %sign3A_346 = arith.subi %sign3A_342, %sign3A_345 : i32
      %ne3A_347 = arith.cmpi ne, %sign3A_339, %sign3A_346 : i32
      %rem3A_348 = arith.remsi %scan3A_275, %jit3A_331 : i32
      %ne3A_349 = arith.constant 0 : i32
      %ne3A_350 = arith.cmpi ne, %rem3A_348, %ne3A_349 : i32
      %and3A_351 = arith.andi %ne3A_347, %ne3A_350 : i1
      %sub3A_352 = arith.constant 1 : i32
      %sub3A_353 = arith.subi %div3A_332, %sub3A_352 : i32
      %select_n3A_354 = arith.select %and3A_351, %sub3A_353, %div3A_332 : i32
      %add3A_355 = arith.constant 4 : i32
      %add3A_356 = arith.addi %select_n3A_354, %add3A_355 : i32
      %jit3A_357 = arith.constant 8 : i32
      %eq3A_358 = arith.constant 0 : i32
      %eq3A_359 = arith.cmpi eq, %jit3A_357, %eq3A_358 : i32
      %jit3A_360 = arith.constant 1 : i32
      %select_n3A_361 = arith.select %eq3A_359, %jit3A_360, %jit3A_357 : i32
      %rem3A_362 = arith.remsi %scan3A_275, %select_n3A_361 : i32
      %ne3A_363 = arith.constant 0 : i32
      %ne3A_364 = arith.cmpi ne, %rem3A_362, %ne3A_363 : i32
      %lt3A_365 = arith.constant 0 : i32
      %lt3A_366 = arith.cmpi slt, %rem3A_362, %lt3A_365 : i32
      %lt3A_367 = arith.constant 0 : i32
      %lt3A_368 = arith.cmpi slt, %select_n3A_361, %lt3A_367 : i32
      %ne3A_369 = arith.xori %lt3A_366, %lt3A_368 : i1
      %and3A_370 = arith.andi %ne3A_369, %ne3A_364 : i1
      %add3A_371 = arith.addi %rem3A_362, %select_n3A_361 : i32
      %select_n3A_372 = arith.select %and3A_370, %add3A_371, %rem3A_362 : i32
      %mul3A_373 = arith.constant 16 : i32
      %mul3A_374 = arith.muli %select_n3A_372, %mul3A_373 : i32
      %swap3A_375 = arith.index_cast %add3A_356 : i32 to index
      %swap3A_376 = arith.index_cast %mul3A_374 : i32 to index
      %swap3A_377 = tpu.vector_load %arg6[%swap3A_375, %swap3A_376] {strides = array<i32>} : memref<12x128xi32, #tpu.memory_space<vmem>>, vector<16xi32>,
      tpu.vector_store %arg6[%swap3A_375, %swap3A_376], %convert_element_type3A_330 {strides = array<i32>} : memref<12x128xi32, #tpu.memory_space<vmem>>, vector<16xi32>,
      %mul3A_378 = arith.constant 0 : i32
      %mul3A_379 = vector.broadcast %mul3A_378 : i32 to vector<16xi32>
      %mul3A_380 = arith.muli %iota3A, %mul3A_379 : vector<16xi32>
      %add3A_381 = arith.constant 5 : i32
      %add3A_382 = vector.broadcast %add3A_381 : i32 to vector<16xi32>
      %add3A_383 = arith.addi %mul3A_380, %add3A_382 : vector<16xi32>
      %gather3A_384 = tpu.vector_load_idx %arg5[%add3A_383, %add3A_280] : memref<8x512xf32, #tpu.memory_space<vmem>>[vector<16xi32>, vector<16xi32>], vector<16xf32>,
      %convert_element_type3A_385 = arith.fptosi %gather3A_384 : vector<16xf32> to vector<16xi32>
      %jit3A_386 = arith.constant 8 : i32
      %div3A_387 = arith.divsi %scan3A_275, %jit3A_386 : i32
      %sign3A_388 = arith.constant 0 : i32
      %sign3A_389 = arith.cmpi sgt, %scan3A_275, %sign3A_388 : i32
      %sign3A_390 = arith.extui %sign3A_389 : i1 to i32
      %sign3A_391 = arith.constant 0 : i32
      %sign3A_392 = arith.cmpi slt, %scan3A_275, %sign3A_391 : i32
      %sign3A_393 = arith.extui %sign3A_392 : i1 to i32
      %sign3A_394 = arith.subi %sign3A_390, %sign3A_393 : i32
      %sign3A_395 = arith.constant 0 : i32
      %sign3A_396 = arith.cmpi sgt, %jit3A_386, %sign3A_395 : i32
      %sign3A_397 = arith.extui %sign3A_396 : i1 to i32
      %sign3A_398 = arith.constant 0 : i32
      %sign3A_399 = arith.cmpi slt, %jit3A_386, %sign3A_398 : i32
      %sign3A_400 = arith.extui %sign3A_399 : i1 to i32
      %sign3A_401 = arith.subi %sign3A_397, %sign3A_400 : i32
      %ne3A_402 = arith.cmpi ne, %sign3A_394, %sign3A_401 : i32
      %rem3A_403 = arith.remsi %scan3A_275, %jit3A_386 : i32
      %ne3A_404 = arith.constant 0 : i32
      %ne3A_405 = arith.cmpi ne, %rem3A_403, %ne3A_404 : i32
      %and3A_406 = arith.andi %ne3A_402, %ne3A_405 : i1
      %sub3A_407 = arith.constant 1 : i32
      %sub3A_408 = arith.subi %div3A_387, %sub3A_407 : i32
      %select_n3A_409 = arith.select %and3A_406, %sub3A_408, %div3A_387 : i32
      %add3A_410 = arith.constant 8 : i32
      %add3A_411 = arith.addi %select_n3A_409, %add3A_410 : i32
      %jit3A_412 = arith.constant 8 : i32
      %eq3A_413 = arith.constant 0 : i32
      %eq3A_414 = arith.cmpi eq, %jit3A_412, %eq3A_413 : i32
      %jit3A_415 = arith.constant 1 : i32
      %select_n3A_416 = arith.select %eq3A_414, %jit3A_415, %jit3A_412 : i32
      %rem3A_417 = arith.remsi %scan3A_275, %select_n3A_416 : i32
      %ne3A_418 = arith.constant 0 : i32
      %ne3A_419 = arith.cmpi ne, %rem3A_417, %ne3A_418 : i32
      %lt3A_420 = arith.constant 0 : i32
      %lt3A_421 = arith.cmpi slt, %rem3A_417, %lt3A_420 : i32
      %lt3A_422 = arith.constant 0 : i32
      %lt3A_423 = arith.cmpi slt, %select_n3A_416, %lt3A_422 : i32
      %ne3A_424 = arith.xori %lt3A_421, %lt3A_423 : i1
      %and3A_425 = arith.andi %ne3A_424, %ne3A_419 : i1
      %add3A_426 = arith.addi %rem3A_417, %select_n3A_416 : i32
      %select_n3A_427 = arith.select %and3A_425, %add3A_426, %rem3A_417 : i32
      %mul3A_428 = arith.constant 16 : i32
      %mul3A_429 = arith.muli %select_n3A_427, %mul3A_428 : i32
      %swap3A_430 = arith.index_cast %add3A_411 : i32 to index
      %swap3A_431 = arith.index_cast %mul3A_429 : i32 to index
      %swap3A_432 = tpu.vector_load %arg6[%swap3A_430, %swap3A_431] {strides = array<i32>} : memref<12x128xi32, #tpu.memory_space<vmem>>, vector<16xi32>,
      tpu.vector_store %arg6[%swap3A_430, %swap3A_431], %convert_element_type3A_385 {strides = array<i32>} : memref<12x128xi32, #tpu.memory_space<vmem>>, vector<16xi32>,
      %scan3A_433 = arith.constant 0 : i32
      scf.yield %scan3A_433 : i32
    }
    %scan3A_8 = arith.constant 32 : i32
    %dma_start3A = arith.constant 0 : i32
    %dma_start3A_9 = arith.constant 0 : i32
    %dma_start3A_10 = arith.constant 0 : i32
    %dma_start3A_11 = tpu.memref_slice %arg7[%dma_start3A_9, %dma_start3A_10] : memref<1536x32xf32, #tpu.memory_space<vmem>> -> memref<128x32xf32, #tpu.memory_space<vmem>>
    %dma_start3A_12 = arith.constant 0 : i32
    %dma_start3A_13 = tpu.memref_slice %arg6[%dma_start3A, %dma_start3A_12] : memref<12x128xi32, #tpu.memory_space<vmem>> -> memref<1x128xi32, #tpu.memory_space<vmem>>
    %dma_start3A_14 = tpu.memref_squeeze %dma_start3A_13 : memref<1x128xi32, #tpu.memory_space<vmem>> -> memref<128xi32, #tpu.memory_space<vmem>>
    %dma_start3A_15 = arith.constant 0 : i32
    %dma_start3A_16 = arith.constant 0 : i32
    %dma_start3A_17 = tpu.memref_slice %arg3[%dma_start3A_15, %dma_start3A_16] : memref<4096x32xf32, #tpu.memory_space<hbm>> -> memref<4096x32xf32, #tpu.memory_space<hbm>>
    tpu.enqueue_indirect_dma source(%dma_start3A_17 : memref<4096x32xf32, #tpu.memory_space<hbm>>) target(%dma_start3A_11 : memref<128x32xf32, #tpu.memory_space<vmem>>) offsets(%dma_start3A_14 : memref<128xi32, #tpu.memory_space<vmem>>) semaphore(%arg9 : memref<!tpu.dma_semaphore, #tpu.memory_space<semaphore_mem>>)
    %dma_start3A_18 = arith.constant 4 : i32
    %dma_start3A_19 = arith.constant 512 : i32
    %dma_start3A_20 = arith.constant 0 : i32
    %dma_start3A_21 = tpu.memref_slice %arg7[%dma_start3A_19, %dma_start3A_20] : memref<1536x32xf32, #tpu.memory_space<vmem>> -> memref<128x32xf32, #tpu.memory_space<vmem>>
    %dma_start3A_22 = arith.constant 0 : i32
    %dma_start3A_23 = tpu.memref_slice %arg6[%dma_start3A_18, %dma_start3A_22] : memref<12x128xi32, #tpu.memory_space<vmem>> -> memref<1x128xi32, #tpu.memory_space<vmem>>
    %dma_start3A_24 = tpu.memref_squeeze %dma_start3A_23 : memref<1x128xi32, #tpu.memory_space<vmem>> -> memref<128xi32, #tpu.memory_space<vmem>>
    %dma_start3A_25 = arith.constant 0 : i32
    %dma_start3A_26 = arith.constant 0 : i32
    %dma_start3A_27 = tpu.memref_slice %arg3[%dma_start3A_25, %dma_start3A_26] : memref<4096x32xf32, #tpu.memory_space<hbm>> -> memref<4096x32xf32, #tpu.memory_space<hbm>>
    tpu.enqueue_indirect_dma source(%dma_start3A_27 : memref<4096x32xf32, #tpu.memory_space<hbm>>) target(%dma_start3A_21 : memref<128x32xf32, #tpu.memory_space<vmem>>) offsets(%dma_start3A_24 : memref<128xi32, #tpu.memory_space<vmem>>) semaphore(%arg9 : memref<!tpu.dma_semaphore, #tpu.memory_space<semaphore_mem>>)
    %dma_start3A_28 = arith.constant 8 : i32
    %dma_start3A_29 = arith.constant 1024 : i32
    %dma_start3A_30 = arith.constant 0 : i32
    %dma_start3A_31 = tpu.memref_slice %arg7[%dma_start3A_29, %dma_start3A_30] : memref<1536x32xf32, #tpu.memory_space<vmem>> -> memref<128x32xf32, #tpu.memory_space<vmem>>
    %dma_start3A_32 = arith.constant 0 : i32
    %dma_start3A_33 = tpu.memref_slice %arg6[%dma_start3A_28, %dma_start3A_32] : memref<12x128xi32, #tpu.memory_space<vmem>> -> memref<1x128xi32, #tpu.memory_space<vmem>>
    %dma_start3A_34 = tpu.memref_squeeze %dma_start3A_33 : memref<1x128xi32, #tpu.memory_space<vmem>> -> memref<128xi32, #tpu.memory_space<vmem>>
    %dma_start3A_35 = arith.constant 0 : i32
    %dma_start3A_36 = arith.constant 0 : i32
    %dma_start3A_37 = tpu.memref_slice %arg3[%dma_start3A_35, %dma_start3A_36] : memref<4096x32xf32, #tpu.memory_space<hbm>> -> memref<4096x32xf32, #tpu.memory_space<hbm>>
    tpu.enqueue_indirect_dma source(%dma_start3A_37 : memref<4096x32xf32, #tpu.memory_space<hbm>>) target(%dma_start3A_31 : memref<128x32xf32, #tpu.memory_space<vmem>>) offsets(%dma_start3A_34 : memref<128xi32, #tpu.memory_space<vmem>>) semaphore(%arg9 : memref<!tpu.dma_semaphore, #tpu.memory_space<semaphore_mem>>)
    %dma_start3A_38 = arith.constant 1 : i32
    %dma_start3A_39 = arith.constant 128 : i32
    %dma_start3A_40 = arith.constant 0 : i32
    %dma_start3A_41 = tpu.memref_slice %arg7[%dma_start3A_39, %dma_start3A_40] : memref<1536x32xf32, #tpu.memory_space<vmem>> -> memref<128x32xf32, #tpu.memory_space<vmem>>
    %dma_start3A_42 = arith.constant 0 : i32
    %dma_start3A_43 = tpu.memref_slice %arg6[%dma_start3A_38, %dma_start3A_42] : memref<12x128xi32, #tpu.memory_space<vmem>> -> memref<1x128xi32, #tpu.memory_space<vmem>>
    %dma_start3A_44 = tpu.memref_squeeze %dma_start3A_43 : memref<1x128xi32, #tpu.memory_space<vmem>> -> memref<128xi32, #tpu.memory_space<vmem>>
    %dma_start3A_45 = arith.constant 0 : i32
    %dma_start3A_46 = arith.constant 0 : i32
    %dma_start3A_47 = tpu.memref_slice %arg3[%dma_start3A_45, %dma_start3A_46] : memref<4096x32xf32, #tpu.memory_space<hbm>> -> memref<4096x32xf32, #tpu.memory_space<hbm>>
    tpu.enqueue_indirect_dma source(%dma_start3A_47 : memref<4096x32xf32, #tpu.memory_space<hbm>>) target(%dma_start3A_41 : memref<128x32xf32, #tpu.memory_space<vmem>>) offsets(%dma_start3A_44 : memref<128xi32, #tpu.memory_space<vmem>>) semaphore(%arg10 : memref<!tpu.dma_semaphore, #tpu.memory_space<semaphore_mem>>)
    %dma_start3A_48 = arith.constant 5 : i32
    %dma_start3A_49 = arith.constant 640 : i32
    %dma_start3A_50 = arith.constant 0 : i32
    %dma_start3A_51 = tpu.memref_slice %arg7[%dma_start3A_49, %dma_start3A_50] : memref<1536x32xf32, #tpu.memory_space<vmem>> -> memref<128x32xf32, #tpu.memory_space<vmem>>
    %dma_start3A_52 = arith.constant 0 : i32
    %dma_start3A_53 = tpu.memref_slice %arg6[%dma_start3A_48, %dma_start3A_52] : memref<12x128xi32, #tpu.memory_space<vmem>> -> memref<1x128xi32, #tpu.memory_space<vmem>>
    %dma_start3A_54 = tpu.memref_squeeze %dma_start3A_53 : memref<1x128xi32, #tpu.memory_space<vmem>> -> memref<128xi32, #tpu.memory_space<vmem>>
    %dma_start3A_55 = arith.constant 0 : i32
    %dma_start3A_56 = arith.constant 0 : i32
    %dma_start3A_57 = tpu.memref_slice %arg3[%dma_start3A_55, %dma_start3A_56] : memref<4096x32xf32, #tpu.memory_space<hbm>> -> memref<4096x32xf32, #tpu.memory_space<hbm>>
    tpu.enqueue_indirect_dma source(%dma_start3A_57 : memref<4096x32xf32, #tpu.memory_space<hbm>>) target(%dma_start3A_51 : memref<128x32xf32, #tpu.memory_space<vmem>>) offsets(%dma_start3A_54 : memref<128xi32, #tpu.memory_space<vmem>>) semaphore(%arg10 : memref<!tpu.dma_semaphore, #tpu.memory_space<semaphore_mem>>)
    %dma_start3A_58 = arith.constant 9 : i32
    %dma_start3A_59 = arith.constant 1152 : i32
    %dma_start3A_60 = arith.constant 0 : i32
    %dma_start3A_61 = tpu.memref_slice %arg7[%dma_start3A_59, %dma_start3A_60] : memref<1536x32xf32, #tpu.memory_space<vmem>> -> memref<128x32xf32, #tpu.memory_space<vmem>>
    %dma_start3A_62 = arith.constant 0 : i32
    %dma_start3A_63 = tpu.memref_slice %arg6[%dma_start3A_58, %dma_start3A_62] : memref<12x128xi32, #tpu.memory_space<vmem>> -> memref<1x128xi32, #tpu.memory_space<vmem>>
    %dma_start3A_64 = tpu.memref_squeeze %dma_start3A_63 : memref<1x128xi32, #tpu.memory_space<vmem>> -> memref<128xi32, #tpu.memory_space<vmem>>
    %dma_start3A_65 = arith.constant 0 : i32
    %dma_start3A_66 = arith.constant 0 : i32
    %dma_start3A_67 = tpu.memref_slice %arg3[%dma_start3A_65, %dma_start3A_66] : memref<4096x32xf32, #tpu.memory_space<hbm>> -> memref<4096x32xf32, #tpu.memory_space<hbm>>
    tpu.enqueue_indirect_dma source(%dma_start3A_67 : memref<4096x32xf32, #tpu.memory_space<hbm>>) target(%dma_start3A_61 : memref<128x32xf32, #tpu.memory_space<vmem>>) offsets(%dma_start3A_64 : memref<128xi32, #tpu.memory_space<vmem>>) semaphore(%arg10 : memref<!tpu.dma_semaphore, #tpu.memory_space<semaphore_mem>>)
    %dma_start3A_68 = arith.constant 2 : i32
    %dma_start3A_69 = arith.constant 256 : i32
    %dma_start3A_70 = arith.constant 0 : i32
    %dma_start3A_71 = tpu.memref_slice %arg7[%dma_start3A_69, %dma_start3A_70] : memref<1536x32xf32, #tpu.memory_space<vmem>> -> memref<128x32xf32, #tpu.memory_space<vmem>>
    %dma_start3A_72 = arith.constant 0 : i32
    %dma_start3A_73 = tpu.memref_slice %arg6[%dma_start3A_68, %dma_start3A_72] : memref<12x128xi32, #tpu.memory_space<vmem>> -> memref<1x128xi32, #tpu.memory_space<vmem>>
    %dma_start3A_74 = tpu.memref_squeeze %dma_start3A_73 : memref<1x128xi32, #tpu.memory_space<vmem>> -> memref<128xi32, #tpu.memory_space<vmem>>
    %dma_start3A_75 = arith.constant 0 : i32
    %dma_start3A_76 = arith.constant 0 : i32
    %dma_start3A_77 = tpu.memref_slice %arg3[%dma_start3A_75, %dma_start3A_76] : memref<4096x32xf32, #tpu.memory_space<hbm>> -> memref<4096x32xf32, #tpu.memory_space<hbm>>
    tpu.enqueue_indirect_dma source(%dma_start3A_77 : memref<4096x32xf32, #tpu.memory_space<hbm>>) target(%dma_start3A_71 : memref<128x32xf32, #tpu.memory_space<vmem>>) offsets(%dma_start3A_74 : memref<128xi32, #tpu.memory_space<vmem>>) semaphore(%arg11 : memref<!tpu.dma_semaphore, #tpu.memory_space<semaphore_mem>>)
    %dma_start3A_78 = arith.constant 6 : i32
    %dma_start3A_79 = arith.constant 768 : i32
    %dma_start3A_80 = arith.constant 0 : i32
    %dma_start3A_81 = tpu.memref_slice %arg7[%dma_start3A_79, %dma_start3A_80] : memref<1536x32xf32, #tpu.memory_space<vmem>> -> memref<128x32xf32, #tpu.memory_space<vmem>>
    %dma_start3A_82 = arith.constant 0 : i32
    %dma_start3A_83 = tpu.memref_slice %arg6[%dma_start3A_78, %dma_start3A_82] : memref<12x128xi32, #tpu.memory_space<vmem>> -> memref<1x128xi32, #tpu.memory_space<vmem>>
    %dma_start3A_84 = tpu.memref_squeeze %dma_start3A_83 : memref<1x128xi32, #tpu.memory_space<vmem>> -> memref<128xi32, #tpu.memory_space<vmem>>
    %dma_start3A_85 = arith.constant 0 : i32
    %dma_start3A_86 = arith.constant 0 : i32
    %dma_start3A_87 = tpu.memref_slice %arg3[%dma_start3A_85, %dma_start3A_86] : memref<4096x32xf32, #tpu.memory_space<hbm>> -> memref<4096x32xf32, #tpu.memory_space<hbm>>
    tpu.enqueue_indirect_dma source(%dma_start3A_87 : memref<4096x32xf32, #tpu.memory_space<hbm>>) target(%dma_start3A_81 : memref<128x32xf32, #tpu.memory_space<vmem>>) offsets(%dma_start3A_84 : memref<128xi32, #tpu.memory_space<vmem>>) semaphore(%arg11 : memref<!tpu.dma_semaphore, #tpu.memory_space<semaphore_mem>>)
    %dma_start3A_88 = arith.constant 10 : i32
    %dma_start3A_89 = arith.constant 1280 : i32
    %dma_start3A_90 = arith.constant 0 : i32
    %dma_start3A_91 = tpu.memref_slice %arg7[%dma_start3A_89, %dma_start3A_90] : memref<1536x32xf32, #tpu.memory_space<vmem>> -> memref<128x32xf32, #tpu.memory_space<vmem>>
    %dma_start3A_92 = arith.constant 0 : i32
    %dma_start3A_93 = tpu.memref_slice %arg6[%dma_start3A_88, %dma_start3A_92] : memref<12x128xi32, #tpu.memory_space<vmem>> -> memref<1x128xi32, #tpu.memory_space<vmem>>
    %dma_start3A_94 = tpu.memref_squeeze %dma_start3A_93 : memref<1x128xi32, #tpu.memory_space<vmem>> -> memref<128xi32, #tpu.memory_space<vmem>>
    %dma_start3A_95 = arith.constant 0 : i32
    %dma_start3A_96 = arith.constant 0 : i32
    %dma_start3A_97 = tpu.memref_slice %arg3[%dma_start3A_95, %dma_start3A_96] : memref<4096x32xf32, #tpu.memory_space<hbm>> -> memref<4096x32xf32, #tpu.memory_space<hbm>>
    tpu.enqueue_indirect_dma source(%dma_start3A_97 : memref<4096x32xf32, #tpu.memory_space<hbm>>) target(%dma_start3A_91 : memref<128x32xf32, #tpu.memory_space<vmem>>) offsets(%dma_start3A_94 : memref<128xi32, #tpu.memory_space<vmem>>) semaphore(%arg11 : memref<!tpu.dma_semaphore, #tpu.memory_space<semaphore_mem>>)
    %dma_start3A_98 = arith.constant 3 : i32
    %dma_start3A_99 = arith.constant 384 : i32
    %dma_start3A_100 = arith.constant 0 : i32
    %dma_start3A_101 = tpu.memref_slice %arg7[%dma_start3A_99, %dma_start3A_100] : memref<1536x32xf32, #tpu.memory_space<vmem>> -> memref<128x32xf32, #tpu.memory_space<vmem>>
    %dma_start3A_102 = arith.constant 0 : i32
    %dma_start3A_103 = tpu.memref_slice %arg6[%dma_start3A_98, %dma_start3A_102] : memref<12x128xi32, #tpu.memory_space<vmem>> -> memref<1x128xi32, #tpu.memory_space<vmem>>
    %dma_start3A_104 = tpu.memref_squeeze %dma_start3A_103 : memref<1x128xi32, #tpu.memory_space<vmem>> -> memref<128xi32, #tpu.memory_space<vmem>>
    %dma_start3A_105 = arith.constant 0 : i32
    %dma_start3A_106 = arith.constant 0 : i32
    %dma_start3A_107 = tpu.memref_slice %arg3[%dma_start3A_105, %dma_start3A_106] : memref<4096x32xf32, #tpu.memory_space<hbm>> -> memref<4096x32xf32, #tpu.memory_space<hbm>>
    tpu.enqueue_indirect_dma source(%dma_start3A_107 : memref<4096x32xf32, #tpu.memory_space<hbm>>) target(%dma_start3A_101 : memref<128x32xf32, #tpu.memory_space<vmem>>) offsets(%dma_start3A_104 : memref<128xi32, #tpu.memory_space<vmem>>) semaphore(%arg12 : memref<!tpu.dma_semaphore, #tpu.memory_space<semaphore_mem>>)
    %dma_start3A_108 = arith.constant 7 : i32
    %dma_start3A_109 = arith.constant 896 : i32
    %dma_start3A_110 = arith.constant 0 : i32
    %dma_start3A_111 = tpu.memref_slice %arg7[%dma_start3A_109, %dma_start3A_110] : memref<1536x32xf32, #tpu.memory_space<vmem>> -> memref<128x32xf32, #tpu.memory_space<vmem>>
    %dma_start3A_112 = arith.constant 0 : i32
    %dma_start3A_113 = tpu.memref_slice %arg6[%dma_start3A_108, %dma_start3A_112] : memref<12x128xi32, #tpu.memory_space<vmem>> -> memref<1x128xi32, #tpu.memory_space<vmem>>
    %dma_start3A_114 = tpu.memref_squeeze %dma_start3A_113 : memref<1x128xi32, #tpu.memory_space<vmem>> -> memref<128xi32, #tpu.memory_space<vmem>>
    %dma_start3A_115 = arith.constant 0 : i32
    %dma_start3A_116 = arith.constant 0 : i32
    %dma_start3A_117 = tpu.memref_slice %arg3[%dma_start3A_115, %dma_start3A_116] : memref<4096x32xf32, #tpu.memory_space<hbm>> -> memref<4096x32xf32, #tpu.memory_space<hbm>>
    tpu.enqueue_indirect_dma source(%dma_start3A_117 : memref<4096x32xf32, #tpu.memory_space<hbm>>) target(%dma_start3A_111 : memref<128x32xf32, #tpu.memory_space<vmem>>) offsets(%dma_start3A_114 : memref<128xi32, #tpu.memory_space<vmem>>) semaphore(%arg12 : memref<!tpu.dma_semaphore, #tpu.memory_space<semaphore_mem>>)
    %dma_start3A_118 = arith.constant 11 : i32
    %dma_start3A_119 = arith.constant 1408 : i32
    %dma_start3A_120 = arith.constant 0 : i32
    %dma_start3A_121 = tpu.memref_slice %arg7[%dma_start3A_119, %dma_start3A_120] : memref<1536x32xf32, #tpu.memory_space<vmem>> -> memref<128x32xf32, #tpu.memory_space<vmem>>
    %dma_start3A_122 = arith.constant 0 : i32
    %dma_start3A_123 = tpu.memref_slice %arg6[%dma_start3A_118, %dma_start3A_122] : memref<12x128xi32, #tpu.memory_space<vmem>> -> memref<1x128xi32, #tpu.memory_space<vmem>>
    %dma_start3A_124 = tpu.memref_squeeze %dma_start3A_123 : memref<1x128xi32, #tpu.memory_space<vmem>> -> memref<128xi32, #tpu.memory_space<vmem>>
    %dma_start3A_125 = arith.constant 0 : i32
    %dma_start3A_126 = arith.constant 0 : i32
    %dma_start3A_127 = tpu.memref_slice %arg3[%dma_start3A_125, %dma_start3A_126] : memref<4096x32xf32, #tpu.memory_space<hbm>> -> memref<4096x32xf32, #tpu.memory_space<hbm>>
    tpu.enqueue_indirect_dma source(%dma_start3A_127 : memref<4096x32xf32, #tpu.memory_space<hbm>>) target(%dma_start3A_121 : memref<128x32xf32, #tpu.memory_space<vmem>>) offsets(%dma_start3A_124 : memref<128xi32, #tpu.memory_space<vmem>>) semaphore(%arg12 : memref<!tpu.dma_semaphore, #tpu.memory_space<semaphore_mem>>)
    %dma_wait3A = arith.constant 0 : i32
    %dma_wait3A_128 = arith.constant 0 : i32
    %dma_wait3A_129 = arith.constant 0 : i32
    %dma_wait3A_130 = tpu.memref_slice %arg7[%dma_wait3A_128, %dma_wait3A_129] : memref<1536x32xf32, #tpu.memory_space<vmem>> -> memref<128x32xf32, #tpu.memory_space<vmem>>
    %dma_wait3A_131 = arith.constant 0 : i32
    %dma_wait3A_132 = tpu.memref_slice %arg6[%dma_wait3A, %dma_wait3A_131] : memref<12x128xi32, #tpu.memory_space<vmem>> -> memref<1x128xi32, #tpu.memory_space<vmem>>
    %dma_wait3A_133 = tpu.memref_squeeze %dma_wait3A_132 : memref<1x128xi32, #tpu.memory_space<vmem>> -> memref<128xi32, #tpu.memory_space<vmem>>
    %dma_wait3A_134 = arith.constant 0 : i32
    %dma_wait3A_135 = arith.constant 0 : i32
    %dma_wait3A_136 = tpu.memref_slice %arg3[%dma_wait3A_134, %dma_wait3A_135] : memref<4096x32xf32, #tpu.memory_space<hbm>> -> memref<4096x32xf32, #tpu.memory_space<hbm>>
    tpu.wait_indirect_dma semaphore(%arg9 : memref<!tpu.dma_semaphore, #tpu.memory_space<semaphore_mem>>) src(%dma_wait3A_136 : memref<4096x32xf32, #tpu.memory_space<hbm>>) dst(%dma_wait3A_130 : memref<128x32xf32, #tpu.memory_space<vmem>>)
    %dma_wait3A_137 = arith.constant 4 : i32
    %dma_wait3A_138 = arith.constant 512 : i32
    %dma_wait3A_139 = arith.constant 0 : i32
    %dma_wait3A_140 = tpu.memref_slice %arg7[%dma_wait3A_138, %dma_wait3A_139] : memref<1536x32xf32, #tpu.memory_space<vmem>> -> memref<128x32xf32, #tpu.memory_space<vmem>>
    %dma_wait3A_141 = arith.constant 0 : i32
    %dma_wait3A_142 = tpu.memref_slice %arg6[%dma_wait3A_137, %dma_wait3A_141] : memref<12x128xi32, #tpu.memory_space<vmem>> -> memref<1x128xi32, #tpu.memory_space<vmem>>
    %dma_wait3A_143 = tpu.memref_squeeze %dma_wait3A_142 : memref<1x128xi32, #tpu.memory_space<vmem>> -> memref<128xi32, #tpu.memory_space<vmem>>
    %dma_wait3A_144 = arith.constant 0 : i32
    %dma_wait3A_145 = arith.constant 0 : i32
    %dma_wait3A_146 = tpu.memref_slice %arg3[%dma_wait3A_144, %dma_wait3A_145] : memref<4096x32xf32, #tpu.memory_space<hbm>> -> memref<4096x32xf32, #tpu.memory_space<hbm>>
    tpu.wait_indirect_dma semaphore(%arg9 : memref<!tpu.dma_semaphore, #tpu.memory_space<semaphore_mem>>) src(%dma_wait3A_146 : memref<4096x32xf32, #tpu.memory_space<hbm>>) dst(%dma_wait3A_140 : memref<128x32xf32, #tpu.memory_space<vmem>>)
    %dma_wait3A_147 = arith.constant 8 : i32
    %dma_wait3A_148 = arith.constant 1024 : i32
    %dma_wait3A_149 = arith.constant 0 : i32
    %dma_wait3A_150 = tpu.memref_slice %arg7[%dma_wait3A_148, %dma_wait3A_149] : memref<1536x32xf32, #tpu.memory_space<vmem>> -> memref<128x32xf32, #tpu.memory_space<vmem>>
    %dma_wait3A_151 = arith.constant 0 : i32
    %dma_wait3A_152 = tpu.memref_slice %arg6[%dma_wait3A_147, %dma_wait3A_151] : memref<12x128xi32, #tpu.memory_space<vmem>> -> memref<1x128xi32, #tpu.memory_space<vmem>>
    %dma_wait3A_153 = tpu.memref_squeeze %dma_wait3A_152 : memref<1x128xi32, #tpu.memory_space<vmem>> -> memref<128xi32, #tpu.memory_space<vmem>>
    %dma_wait3A_154 = arith.constant 0 : i32
    %dma_wait3A_155 = arith.constant 0 : i32
    %dma_wait3A_156 = tpu.memref_slice %arg3[%dma_wait3A_154, %dma_wait3A_155] : memref<4096x32xf32, #tpu.memory_space<hbm>> -> memref<4096x32xf32, #tpu.memory_space<hbm>>
    tpu.wait_indirect_dma semaphore(%arg9 : memref<!tpu.dma_semaphore, #tpu.memory_space<semaphore_mem>>) src(%dma_wait3A_156 : memref<4096x32xf32, #tpu.memory_space<hbm>>) dst(%dma_wait3A_150 : memref<128x32xf32, #tpu.memory_space<vmem>>)
    %scan3A_157 = arith.constant 0 : i32
    %scan3A_158 = arith.constant 0 : i32
    %scan3A_159 = arith.constant 128 : i32
    %scan3A_160 = arith.addi %scan3A_158, %scan3A_159 : i32
    %scan3A_161 = arith.constant 1 : i32
    %scan3A_162 = scf.for %scan3A_275 = %scan3A_158 to %scan3A_160 step %scan3A_161 iter_args(%scan3A_276 = %scan3A_157) -> (i32)  : i32 {
      %broadcast_in_dim3A = arith.constant 0.000000e+00 : f32
      %broadcast_in_dim3A_277 = vector.broadcast %broadcast_in_dim3A : f32 to vector<16xf32>
      %broadcast_in_dim3A_278 = arith.constant 0.000000e+00 : f32
      %broadcast_in_dim3A_279 = vector.broadcast %broadcast_in_dim3A_278 : f32 to vector<16xf32>
      %mul3A_280 = arith.constant 0 : i32
      %mul3A_281 = vector.broadcast %mul3A_280 : i32 to vector<16xi32>
      %mul3A_282 = arith.muli %iota3A, %mul3A_281 : vector<16xi32>
      %add3A_283 = arith.constant 0 : i32
      %add3A_284 = vector.broadcast %add3A_283 : i32 to vector<16xi32>
      %add3A_285 = arith.addi %mul3A_282, %add3A_284 : vector<16xi32>
      %mul3A_286 = arith.constant 0 : i32
      %mul3A_287 = vector.broadcast %mul3A_286 : i32 to vector<16xi32>
      %mul3A_288 = arith.muli %iota3A, %mul3A_287 : vector<16xi32>
      %add3A_289 = vector.broadcast %scan3A_275 : i32 to vector<16xi32>
      %add3A_290 = arith.addi %mul3A_288, %add3A_289 : vector<16xi32>
      %gather3A = tpu.vector_load_idx %arg5[%add3A_285, %add3A_290] : memref<8x512xf32, #tpu.memory_space<vmem>>[vector<16xi32>, vector<16xi32>], vector<16xf32>,
      %add3A_291 = arith.constant 0 : i32
      %add3A_292 = arith.addi %add3A_291, %scan3A_275 : i32
      %get3A = arith.index_cast %add3A_292 : i32 to index
      %get3A_293 = arith.constant 0 : index
      %get3A_294 = tpu.vector_load %arg7[%get3A, %get3A_293] {strides = array<i32>} : memref<1536x32xf32, #tpu.memory_space<vmem>>, vector<16xf32>,
      %mul3A_295 = arith.mulf %gather3A, %get3A_294 : vector<16xf32>
      %add3A_296 = arith.addf %broadcast_in_dim3A_277, %mul3A_295 : vector<16xf32>
      %get3A_297 = arith.index_cast %add3A_292 : i32 to index
      %get3A_298 = arith.constant 16 : index
      %get3A_299 = tpu.vector_load %arg7[%get3A_297, %get3A_298] {strides = array<i32>} : memref<1536x32xf32, #tpu.memory_space<vmem>>, vector<16xf32>,
      %mul3A_300 = arith.mulf %gather3A, %get3A_299 : vector<16xf32>
      %add3A_301 = arith.addf %broadcast_in_dim3A_279, %mul3A_300 : vector<16xf32>
      %mul3A_302 = arith.constant 0 : i32
      %mul3A_303 = vector.broadcast %mul3A_302 : i32 to vector<16xi32>
      %mul3A_304 = arith.muli %iota3A, %mul3A_303 : vector<16xi32>
      %add3A_305 = arith.constant 1 : i32
      %add3A_306 = vector.broadcast %add3A_305 : i32 to vector<16xi32>
      %add3A_307 = arith.addi %mul3A_304, %add3A_306 : vector<16xi32>
      %mul3A_308 = arith.constant 0 : i32
      %mul3A_309 = vector.broadcast %mul3A_308 : i32 to vector<16xi32>
      %mul3A_310 = arith.muli %iota3A, %mul3A_309 : vector<16xi32>
      %add3A_311 = vector.broadcast %scan3A_275 : i32 to vector<16xi32>
      %add3A_312 = arith.addi %mul3A_310, %add3A_311 : vector<16xi32>
      %gather3A_313 = tpu.vector_load_idx %arg5[%add3A_307, %add3A_312] : memref<8x512xf32, #tpu.memory_space<vmem>>[vector<16xi32>, vector<16xi32>], vector<16xf32>,
      %add3A_314 = arith.constant 512 : i32
      %add3A_315 = arith.addi %add3A_314, %scan3A_275 : i32
      %get3A_316 = arith.index_cast %add3A_315 : i32 to index
      %get3A_317 = arith.constant 0 : index
      %get3A_318 = tpu.vector_load %arg7[%get3A_316, %get3A_317] {strides = array<i32>} : memref<1536x32xf32, #tpu.memory_space<vmem>>, vector<16xf32>,
      %mul3A_319 = arith.mulf %gather3A_313, %get3A_318 : vector<16xf32>
      %add3A_320 = arith.addf %add3A_296, %mul3A_319 : vector<16xf32>
      %get3A_321 = arith.index_cast %add3A_315 : i32 to index
      %get3A_322 = arith.constant 16 : index
      %get3A_323 = tpu.vector_load %arg7[%get3A_321, %get3A_322] {strides = array<i32>} : memref<1536x32xf32, #tpu.memory_space<vmem>>, vector<16xf32>,
      %mul3A_324 = arith.mulf %gather3A_313, %get3A_323 : vector<16xf32>
      %add3A_325 = arith.addf %add3A_301, %mul3A_324 : vector<16xf32>
      %mul3A_326 = arith.constant 0 : i32
      %mul3A_327 = vector.broadcast %mul3A_326 : i32 to vector<16xi32>
      %mul3A_328 = arith.muli %iota3A, %mul3A_327 : vector<16xi32>
      %add3A_329 = arith.constant 2 : i32
      %add3A_330 = vector.broadcast %add3A_329 : i32 to vector<16xi32>
      %add3A_331 = arith.addi %mul3A_328, %add3A_330 : vector<16xi32>
      %mul3A_332 = arith.constant 0 : i32
      %mul3A_333 = vector.broadcast %mul3A_332 : i32 to vector<16xi32>
      %mul3A_334 = arith.muli %iota3A, %mul3A_333 : vector<16xi32>
      %add3A_335 = vector.broadcast %scan3A_275 : i32 to vector<16xi32>
      %add3A_336 = arith.addi %mul3A_334, %add3A_335 : vector<16xi32>
      %gather3A_337 = tpu.vector_load_idx %arg5[%add3A_331, %add3A_336] : memref<8x512xf32, #tpu.memory_space<vmem>>[vector<16xi32>, vector<16xi32>], vector<16xf32>,
      %add3A_338 = arith.constant 1024 : i32
      %add3A_339 = arith.addi %add3A_338, %scan3A_275 : i32
      %get3A_340 = arith.index_cast %add3A_339 : i32 to index
      %get3A_341 = arith.constant 0 : index
      %get3A_342 = tpu.vector_load %arg7[%get3A_340, %get3A_341] {strides = array<i32>} : memref<1536x32xf32, #tpu.memory_space<vmem>>, vector<16xf32>,
      %mul3A_343 = arith.mulf %gather3A_337, %get3A_342 : vector<16xf32>
      %add3A_344 = arith.addf %add3A_320, %mul3A_343 : vector<16xf32>
      %get3A_345 = arith.index_cast %add3A_339 : i32 to index
      %get3A_346 = arith.constant 16 : index
      %get3A_347 = tpu.vector_load %arg7[%get3A_345, %get3A_346] {strides = array<i32>} : memref<1536x32xf32, #tpu.memory_space<vmem>>, vector<16xf32>,
      %mul3A_348 = arith.mulf %gather3A_337, %get3A_347 : vector<16xf32>
      %add3A_349 = arith.addf %add3A_325, %mul3A_348 : vector<16xf32>
      %swap3A = arith.index_cast %scan3A_275 : i32 to index
      %swap3A_350 = arith.constant 0 : index
      %swap3A_351 = tpu.vector_load %arg8[%swap3A, %swap3A_350] {strides = array<i32>} : memref<512x32xf32, #tpu.memory_space<vmem>>, vector<16xf32>,
      tpu.vector_store %arg8[%swap3A, %swap3A_350], %add3A_344 {strides = array<i32>} : memref<512x32xf32, #tpu.memory_space<vmem>>, vector<16xf32>,
      %swap3A_352 = arith.index_cast %scan3A_275 : i32 to index
      %swap3A_353 = arith.constant 16 : index
      %swap3A_354 = tpu.vector_load %arg8[%swap3A_352, %swap3A_353] {strides = array<i32>} : memref<512x32xf32, #tpu.memory_space<vmem>>, vector<16xf32>,
      tpu.vector_store %arg8[%swap3A_352, %swap3A_353], %add3A_349 {strides = array<i32>} : memref<512x32xf32, #tpu.memory_space<vmem>>, vector<16xf32>,
      %scan3A_355 = arith.constant 0 : i32
      scf.yield %scan3A_355 : i32
    }
    %scan3A_163 = arith.constant 128 : i32
    %dma_wait3A_164 = arith.constant 1 : i32
    %dma_wait3A_165 = arith.constant 128 : i32
    %dma_wait3A_166 = arith.constant 0 : i32
    %dma_wait3A_167 = tpu.memref_slice %arg7[%dma_wait3A_165, %dma_wait3A_166] : memref<1536x32xf32, #tpu.memory_space<vmem>> -> memref<128x32xf32, #tpu.memory_space<vmem>>
    %dma_wait3A_168 = arith.constant 0 : i32
    %dma_wait3A_169 = tpu.memref_slice %arg6[%dma_wait3A_164, %dma_wait3A_168] : memref<12x128xi32, #tpu.memory_space<vmem>> -> memref<1x128xi32, #tpu.memory_space<vmem>>
    %dma_wait3A_170 = tpu.memref_squeeze %dma_wait3A_169 : memref<1x128xi32, #tpu.memory_space<vmem>> -> memref<128xi32, #tpu.memory_space<vmem>>
    %dma_wait3A_171 = arith.constant 0 : i32
    %dma_wait3A_172 = arith.constant 0 : i32
    %dma_wait3A_173 = tpu.memref_slice %arg3[%dma_wait3A_171, %dma_wait3A_172] : memref<4096x32xf32, #tpu.memory_space<hbm>> -> memref<4096x32xf32, #tpu.memory_space<hbm>>
    tpu.wait_indirect_dma semaphore(%arg10 : memref<!tpu.dma_semaphore, #tpu.memory_space<semaphore_mem>>) src(%dma_wait3A_173 : memref<4096x32xf32, #tpu.memory_space<hbm>>) dst(%dma_wait3A_167 : memref<128x32xf32, #tpu.memory_space<vmem>>)
    %dma_wait3A_174 = arith.constant 5 : i32
    %dma_wait3A_175 = arith.constant 640 : i32
    %dma_wait3A_176 = arith.constant 0 : i32
    %dma_wait3A_177 = tpu.memref_slice %arg7[%dma_wait3A_175, %dma_wait3A_176] : memref<1536x32xf32, #tpu.memory_space<vmem>> -> memref<128x32xf32, #tpu.memory_space<vmem>>
    %dma_wait3A_178 = arith.constant 0 : i32
    %dma_wait3A_179 = tpu.memref_slice %arg6[%dma_wait3A_174, %dma_wait3A_178] : memref<12x128xi32, #tpu.memory_space<vmem>> -> memref<1x128xi32, #tpu.memory_space<vmem>>
    %dma_wait3A_180 = tpu.memref_squeeze %dma_wait3A_179 : memref<1x128xi32, #tpu.memory_space<vmem>> -> memref<128xi32, #tpu.memory_space<vmem>>
    %dma_wait3A_181 = arith.constant 0 : i32
    %dma_wait3A_182 = arith.constant 0 : i32
    %dma_wait3A_183 = tpu.memref_slice %arg3[%dma_wait3A_181, %dma_wait3A_182] : memref<4096x32xf32, #tpu.memory_space<hbm>> -> memref<4096x32xf32, #tpu.memory_space<hbm>>
    tpu.wait_indirect_dma semaphore(%arg10 : memref<!tpu.dma_semaphore, #tpu.memory_space<semaphore_mem>>) src(%dma_wait3A_183 : memref<4096x32xf32, #tpu.memory_space<hbm>>) dst(%dma_wait3A_177 : memref<128x32xf32, #tpu.memory_space<vmem>>)
    %dma_wait3A_184 = arith.constant 9 : i32
    %dma_wait3A_185 = arith.constant 1152 : i32
    %dma_wait3A_186 = arith.constant 0 : i32
    %dma_wait3A_187 = tpu.memref_slice %arg7[%dma_wait3A_185, %dma_wait3A_186] : memref<1536x32xf32, #tpu.memory_space<vmem>> -> memref<128x32xf32, #tpu.memory_space<vmem>>
    %dma_wait3A_188 = arith.constant 0 : i32
    %dma_wait3A_189 = tpu.memref_slice %arg6[%dma_wait3A_184, %dma_wait3A_188] : memref<12x128xi32, #tpu.memory_space<vmem>> -> memref<1x128xi32, #tpu.memory_space<vmem>>
    %dma_wait3A_190 = tpu.memref_squeeze %dma_wait3A_189 : memref<1x128xi32, #tpu.memory_space<vmem>> -> memref<128xi32, #tpu.memory_space<vmem>>
    %dma_wait3A_191 = arith.constant 0 : i32
    %dma_wait3A_192 = arith.constant 0 : i32
    %dma_wait3A_193 = tpu.memref_slice %arg3[%dma_wait3A_191, %dma_wait3A_192] : memref<4096x32xf32, #tpu.memory_space<hbm>> -> memref<4096x32xf32, #tpu.memory_space<hbm>>
    tpu.wait_indirect_dma semaphore(%arg10 : memref<!tpu.dma_semaphore, #tpu.memory_space<semaphore_mem>>) src(%dma_wait3A_193 : memref<4096x32xf32, #tpu.memory_space<hbm>>) dst(%dma_wait3A_187 : memref<128x32xf32, #tpu.memory_space<vmem>>)
    %scan3A_194 = arith.constant 0 : i32
    %scan3A_195 = arith.constant 128 : i32
    %scan3A_196 = arith.constant 128 : i32
    %scan3A_197 = arith.addi %scan3A_195, %scan3A_196 : i32
    %scan3A_198 = arith.constant 1 : i32
    %scan3A_199 = scf.for %scan3A_275 = %scan3A_195 to %scan3A_197 step %scan3A_198 iter_args(%scan3A_276 = %scan3A_194) -> (i32)  : i32 {
      %broadcast_in_dim3A = arith.constant 0.000000e+00 : f32
      %broadcast_in_dim3A_277 = vector.broadcast %broadcast_in_dim3A : f32 to vector<16xf32>
      %broadcast_in_dim3A_278 = arith.constant 0.000000e+00 : f32
      %broadcast_in_dim3A_279 = vector.broadcast %broadcast_in_dim3A_278 : f32 to vector<16xf32>
      %mul3A_280 = arith.constant 0 : i32
      %mul3A_281 = vector.broadcast %mul3A_280 : i32 to vector<16xi32>
      %mul3A_282 = arith.muli %iota3A, %mul3A_281 : vector<16xi32>
      %add3A_283 = arith.constant 0 : i32
      %add3A_284 = vector.broadcast %add3A_283 : i32 to vector<16xi32>
      %add3A_285 = arith.addi %mul3A_282, %add3A_284 : vector<16xi32>
      %mul3A_286 = arith.constant 0 : i32
      %mul3A_287 = vector.broadcast %mul3A_286 : i32 to vector<16xi32>
      %mul3A_288 = arith.muli %iota3A, %mul3A_287 : vector<16xi32>
      %add3A_289 = vector.broadcast %scan3A_275 : i32 to vector<16xi32>
      %add3A_290 = arith.addi %mul3A_288, %add3A_289 : vector<16xi32>
      %gather3A = tpu.vector_load_idx %arg5[%add3A_285, %add3A_290] : memref<8x512xf32, #tpu.memory_space<vmem>>[vector<16xi32>, vector<16xi32>], vector<16xf32>,
      %add3A_291 = arith.constant 0 : i32
      %add3A_292 = arith.addi %add3A_291, %scan3A_275 : i32
      %get3A = arith.index_cast %add3A_292 : i32 to index
      %get3A_293 = arith.constant 0 : index
      %get3A_294 = tpu.vector_load %arg7[%get3A, %get3A_293] {strides = array<i32>} : memref<1536x32xf32, #tpu.memory_space<vmem>>, vector<16xf32>,
      %mul3A_295 = arith.mulf %gather3A, %get3A_294 : vector<16xf32>
      %add3A_296 = arith.addf %broadcast_in_dim3A_277, %mul3A_295 : vector<16xf32>
      %get3A_297 = arith.index_cast %add3A_292 : i32 to index
      %get3A_298 = arith.constant 16 : index
      %get3A_299 = tpu.vector_load %arg7[%get3A_297, %get3A_298] {strides = array<i32>} : memref<1536x32xf32, #tpu.memory_space<vmem>>, vector<16xf32>,
      %mul3A_300 = arith.mulf %gather3A, %get3A_299 : vector<16xf32>
      %add3A_301 = arith.addf %broadcast_in_dim3A_279, %mul3A_300 : vector<16xf32>
      %mul3A_302 = arith.constant 0 : i32
      %mul3A_303 = vector.broadcast %mul3A_302 : i32 to vector<16xi32>
      %mul3A_304 = arith.muli %iota3A, %mul3A_303 : vector<16xi32>
      %add3A_305 = arith.constant 1 : i32
      %add3A_306 = vector.broadcast %add3A_305 : i32 to vector<16xi32>
      %add3A_307 = arith.addi %mul3A_304, %add3A_306 : vector<16xi32>
      %mul3A_308 = arith.constant 0 : i32
      %mul3A_309 = vector.broadcast %mul3A_308 : i32 to vector<16xi32>
      %mul3A_310 = arith.muli %iota3A, %mul3A_309 : vector<16xi32>
      %add3A_311 = vector.broadcast %scan3A_275 : i32 to vector<16xi32>
      %add3A_312 = arith.addi %mul3A_310, %add3A_311 : vector<16xi32>
      %gather3A_313 = tpu.vector_load_idx %arg5[%add3A_307, %add3A_312] : memref<8x512xf32, #tpu.memory_space<vmem>>[vector<16xi32>, vector<16xi32>], vector<16xf32>,
      %add3A_314 = arith.constant 512 : i32
      %add3A_315 = arith.addi %add3A_314, %scan3A_275 : i32
      %get3A_316 = arith.index_cast %add3A_315 : i32 to index
      %get3A_317 = arith.constant 0 : index
      %get3A_318 = tpu.vector_load %arg7[%get3A_316, %get3A_317] {strides = array<i32>} : memref<1536x32xf32, #tpu.memory_space<vmem>>, vector<16xf32>,
      %mul3A_319 = arith.mulf %gather3A_313, %get3A_318 : vector<16xf32>
      %add3A_320 = arith.addf %add3A_296, %mul3A_319 : vector<16xf32>
      %get3A_321 = arith.index_cast %add3A_315 : i32 to index
      %get3A_322 = arith.constant 16 : index
      %get3A_323 = tpu.vector_load %arg7[%get3A_321, %get3A_322] {strides = array<i32>} : memref<1536x32xf32, #tpu.memory_space<vmem>>, vector<16xf32>,
      %mul3A_324 = arith.mulf %gather3A_313, %get3A_323 : vector<16xf32>
      %add3A_325 = arith.addf %add3A_301, %mul3A_324 : vector<16xf32>
      %mul3A_326 = arith.constant 0 : i32
      %mul3A_327 = vector.broadcast %mul3A_326 : i32 to vector<16xi32>
      %mul3A_328 = arith.muli %iota3A, %mul3A_327 : vector<16xi32>
      %add3A_329 = arith.constant 2 : i32
      %add3A_330 = vector.broadcast %add3A_329 : i32 to vector<16xi32>
      %add3A_331 = arith.addi %mul3A_328, %add3A_330 : vector<16xi32>
      %mul3A_332 = arith.constant 0 : i32
      %mul3A_333 = vector.broadcast %mul3A_332 : i32 to vector<16xi32>
      %mul3A_334 = arith.muli %iota3A, %mul3A_333 : vector<16xi32>
      %add3A_335 = vector.broadcast %scan3A_275 : i32 to vector<16xi32>
      %add3A_336 = arith.addi %mul3A_334, %add3A_335 : vector<16xi32>
      %gather3A_337 = tpu.vector_load_idx %arg5[%add3A_331, %add3A_336] : memref<8x512xf32, #tpu.memory_space<vmem>>[vector<16xi32>, vector<16xi32>], vector<16xf32>,
      %add3A_338 = arith.constant 1024 : i32
      %add3A_339 = arith.addi %add3A_338, %scan3A_275 : i32
      %get3A_340 = arith.index_cast %add3A_339 : i32 to index
      %get3A_341 = arith.constant 0 : index
      %get3A_342 = tpu.vector_load %arg7[%get3A_340, %get3A_341] {strides = array<i32>} : memref<1536x32xf32, #tpu.memory_space<vmem>>, vector<16xf32>,
      %mul3A_343 = arith.mulf %gather3A_337, %get3A_342 : vector<16xf32>
      %add3A_344 = arith.addf %add3A_320, %mul3A_343 : vector<16xf32>
      %get3A_345 = arith.index_cast %add3A_339 : i32 to index
      %get3A_346 = arith.constant 16 : index
      %get3A_347 = tpu.vector_load %arg7[%get3A_345, %get3A_346] {strides = array<i32>} : memref<1536x32xf32, #tpu.memory_space<vmem>>, vector<16xf32>,
      %mul3A_348 = arith.mulf %gather3A_337, %get3A_347 : vector<16xf32>
      %add3A_349 = arith.addf %add3A_325, %mul3A_348 : vector<16xf32>
      %swap3A = arith.index_cast %scan3A_275 : i32 to index
      %swap3A_350 = arith.constant 0 : index
      %swap3A_351 = tpu.vector_load %arg8[%swap3A, %swap3A_350] {strides = array<i32>} : memref<512x32xf32, #tpu.memory_space<vmem>>, vector<16xf32>,
      tpu.vector_store %arg8[%swap3A, %swap3A_350], %add3A_344 {strides = array<i32>} : memref<512x32xf32, #tpu.memory_space<vmem>>, vector<16xf32>,
      %swap3A_352 = arith.index_cast %scan3A_275 : i32 to index
      %swap3A_353 = arith.constant 16 : index
      %swap3A_354 = tpu.vector_load %arg8[%swap3A_352, %swap3A_353] {strides = array<i32>} : memref<512x32xf32, #tpu.memory_space<vmem>>, vector<16xf32>,
      tpu.vector_store %arg8[%swap3A_352, %swap3A_353], %add3A_349 {strides = array<i32>} : memref<512x32xf32, #tpu.memory_space<vmem>>, vector<16xf32>,
      %scan3A_355 = arith.constant 0 : i32
      scf.yield %scan3A_355 : i32
    }
    %scan3A_200 = arith.constant 128 : i32
    %dma_wait3A_201 = arith.constant 2 : i32
    %dma_wait3A_202 = arith.constant 256 : i32
    %dma_wait3A_203 = arith.constant 0 : i32
    %dma_wait3A_204 = tpu.memref_slice %arg7[%dma_wait3A_202, %dma_wait3A_203] : memref<1536x32xf32, #tpu.memory_space<vmem>> -> memref<128x32xf32, #tpu.memory_space<vmem>>
    %dma_wait3A_205 = arith.constant 0 : i32
    %dma_wait3A_206 = tpu.memref_slice %arg6[%dma_wait3A_201, %dma_wait3A_205] : memref<12x128xi32, #tpu.memory_space<vmem>> -> memref<1x128xi32, #tpu.memory_space<vmem>>
    %dma_wait3A_207 = tpu.memref_squeeze %dma_wait3A_206 : memref<1x128xi32, #tpu.memory_space<vmem>> -> memref<128xi32, #tpu.memory_space<vmem>>
    %dma_wait3A_208 = arith.constant 0 : i32
    %dma_wait3A_209 = arith.constant 0 : i32
    %dma_wait3A_210 = tpu.memref_slice %arg3[%dma_wait3A_208, %dma_wait3A_209] : memref<4096x32xf32, #tpu.memory_space<hbm>> -> memref<4096x32xf32, #tpu.memory_space<hbm>>
    tpu.wait_indirect_dma semaphore(%arg11 : memref<!tpu.dma_semaphore, #tpu.memory_space<semaphore_mem>>) src(%dma_wait3A_210 : memref<4096x32xf32, #tpu.memory_space<hbm>>) dst(%dma_wait3A_204 : memref<128x32xf32, #tpu.memory_space<vmem>>)
    %dma_wait3A_211 = arith.constant 6 : i32
    %dma_wait3A_212 = arith.constant 768 : i32
    %dma_wait3A_213 = arith.constant 0 : i32
    %dma_wait3A_214 = tpu.memref_slice %arg7[%dma_wait3A_212, %dma_wait3A_213] : memref<1536x32xf32, #tpu.memory_space<vmem>> -> memref<128x32xf32, #tpu.memory_space<vmem>>
    %dma_wait3A_215 = arith.constant 0 : i32
    %dma_wait3A_216 = tpu.memref_slice %arg6[%dma_wait3A_211, %dma_wait3A_215] : memref<12x128xi32, #tpu.memory_space<vmem>> -> memref<1x128xi32, #tpu.memory_space<vmem>>
    %dma_wait3A_217 = tpu.memref_squeeze %dma_wait3A_216 : memref<1x128xi32, #tpu.memory_space<vmem>> -> memref<128xi32, #tpu.memory_space<vmem>>
    %dma_wait3A_218 = arith.constant 0 : i32
    %dma_wait3A_219 = arith.constant 0 : i32
    %dma_wait3A_220 = tpu.memref_slice %arg3[%dma_wait3A_218, %dma_wait3A_219] : memref<4096x32xf32, #tpu.memory_space<hbm>> -> memref<4096x32xf32, #tpu.memory_space<hbm>>
    tpu.wait_indirect_dma semaphore(%arg11 : memref<!tpu.dma_semaphore, #tpu.memory_space<semaphore_mem>>) src(%dma_wait3A_220 : memref<4096x32xf32, #tpu.memory_space<hbm>>) dst(%dma_wait3A_214 : memref<128x32xf32, #tpu.memory_space<vmem>>)
    %dma_wait3A_221 = arith.constant 10 : i32
    %dma_wait3A_222 = arith.constant 1280 : i32
    %dma_wait3A_223 = arith.constant 0 : i32
    %dma_wait3A_224 = tpu.memref_slice %arg7[%dma_wait3A_222, %dma_wait3A_223] : memref<1536x32xf32, #tpu.memory_space<vmem>> -> memref<128x32xf32, #tpu.memory_space<vmem>>
    %dma_wait3A_225 = arith.constant 0 : i32
    %dma_wait3A_226 = tpu.memref_slice %arg6[%dma_wait3A_221, %dma_wait3A_225] : memref<12x128xi32, #tpu.memory_space<vmem>> -> memref<1x128xi32, #tpu.memory_space<vmem>>
    %dma_wait3A_227 = tpu.memref_squeeze %dma_wait3A_226 : memref<1x128xi32, #tpu.memory_space<vmem>> -> memref<128xi32, #tpu.memory_space<vmem>>
    %dma_wait3A_228 = arith.constant 0 : i32
    %dma_wait3A_229 = arith.constant 0 : i32
    %dma_wait3A_230 = tpu.memref_slice %arg3[%dma_wait3A_228, %dma_wait3A_229] : memref<4096x32xf32, #tpu.memory_space<hbm>> -> memref<4096x32xf32, #tpu.memory_space<hbm>>
    tpu.wait_indirect_dma semaphore(%arg11 : memref<!tpu.dma_semaphore, #tpu.memory_space<semaphore_mem>>) src(%dma_wait3A_230 : memref<4096x32xf32, #tpu.memory_space<hbm>>) dst(%dma_wait3A_224 : memref<128x32xf32, #tpu.memory_space<vmem>>)
    %scan3A_231 = arith.constant 0 : i32
    %scan3A_232 = arith.constant 256 : i32
    %scan3A_233 = arith.constant 128 : i32
    %scan3A_234 = arith.addi %scan3A_232, %scan3A_233 : i32
    %scan3A_235 = arith.constant 1 : i32
    %scan3A_236 = scf.for %scan3A_275 = %scan3A_232 to %scan3A_234 step %scan3A_235 iter_args(%scan3A_276 = %scan3A_231) -> (i32)  : i32 {
      %broadcast_in_dim3A = arith.constant 0.000000e+00 : f32
      %broadcast_in_dim3A_277 = vector.broadcast %broadcast_in_dim3A : f32 to vector<16xf32>
      %broadcast_in_dim3A_278 = arith.constant 0.000000e+00 : f32
      %broadcast_in_dim3A_279 = vector.broadcast %broadcast_in_dim3A_278 : f32 to vector<16xf32>
      %mul3A_280 = arith.constant 0 : i32
      %mul3A_281 = vector.broadcast %mul3A_280 : i32 to vector<16xi32>
      %mul3A_282 = arith.muli %iota3A, %mul3A_281 : vector<16xi32>
      %add3A_283 = arith.constant 0 : i32
      %add3A_284 = vector.broadcast %add3A_283 : i32 to vector<16xi32>
      %add3A_285 = arith.addi %mul3A_282, %add3A_284 : vector<16xi32>
      %mul3A_286 = arith.constant 0 : i32
      %mul3A_287 = vector.broadcast %mul3A_286 : i32 to vector<16xi32>
      %mul3A_288 = arith.muli %iota3A, %mul3A_287 : vector<16xi32>
      %add3A_289 = vector.broadcast %scan3A_275 : i32 to vector<16xi32>
      %add3A_290 = arith.addi %mul3A_288, %add3A_289 : vector<16xi32>
      %gather3A = tpu.vector_load_idx %arg5[%add3A_285, %add3A_290] : memref<8x512xf32, #tpu.memory_space<vmem>>[vector<16xi32>, vector<16xi32>], vector<16xf32>,
      %add3A_291 = arith.constant 0 : i32
      %add3A_292 = arith.addi %add3A_291, %scan3A_275 : i32
      %get3A = arith.index_cast %add3A_292 : i32 to index
      %get3A_293 = arith.constant 0 : index
      %get3A_294 = tpu.vector_load %arg7[%get3A, %get3A_293] {strides = array<i32>} : memref<1536x32xf32, #tpu.memory_space<vmem>>, vector<16xf32>,
      %mul3A_295 = arith.mulf %gather3A, %get3A_294 : vector<16xf32>
      %add3A_296 = arith.addf %broadcast_in_dim3A_277, %mul3A_295 : vector<16xf32>
      %get3A_297 = arith.index_cast %add3A_292 : i32 to index
      %get3A_298 = arith.constant 16 : index
      %get3A_299 = tpu.vector_load %arg7[%get3A_297, %get3A_298] {strides = array<i32>} : memref<1536x32xf32, #tpu.memory_space<vmem>>, vector<16xf32>,
      %mul3A_300 = arith.mulf %gather3A, %get3A_299 : vector<16xf32>
      %add3A_301 = arith.addf %broadcast_in_dim3A_279, %mul3A_300 : vector<16xf32>
      %mul3A_302 = arith.constant 0 : i32
      %mul3A_303 = vector.broadcast %mul3A_302 : i32 to vector<16xi32>
      %mul3A_304 = arith.muli %iota3A, %mul3A_303 : vector<16xi32>
      %add3A_305 = arith.constant 1 : i32
      %add3A_306 = vector.broadcast %add3A_305 : i32 to vector<16xi32>
      %add3A_307 = arith.addi %mul3A_304, %add3A_306 : vector<16xi32>
      %mul3A_308 = arith.constant 0 : i32
      %mul3A_309 = vector.broadcast %mul3A_308 : i32 to vector<16xi32>
      %mul3A_310 = arith.muli %iota3A, %mul3A_309 : vector<16xi32>
      %add3A_311 = vector.broadcast %scan3A_275 : i32 to vector<16xi32>
      %add3A_312 = arith.addi %mul3A_310, %add3A_311 : vector<16xi32>
      %gather3A_313 = tpu.vector_load_idx %arg5[%add3A_307, %add3A_312] : memref<8x512xf32, #tpu.memory_space<vmem>>[vector<16xi32>, vector<16xi32>], vector<16xf32>,
      %add3A_314 = arith.constant 512 : i32
      %add3A_315 = arith.addi %add3A_314, %scan3A_275 : i32
      %get3A_316 = arith.index_cast %add3A_315 : i32 to index
      %get3A_317 = arith.constant 0 : index
      %get3A_318 = tpu.vector_load %arg7[%get3A_316, %get3A_317] {strides = array<i32>} : memref<1536x32xf32, #tpu.memory_space<vmem>>, vector<16xf32>,
      %mul3A_319 = arith.mulf %gather3A_313, %get3A_318 : vector<16xf32>
      %add3A_320 = arith.addf %add3A_296, %mul3A_319 : vector<16xf32>
      %get3A_321 = arith.index_cast %add3A_315 : i32 to index
      %get3A_322 = arith.constant 16 : index
      %get3A_323 = tpu.vector_load %arg7[%get3A_321, %get3A_322] {strides = array<i32>} : memref<1536x32xf32, #tpu.memory_space<vmem>>, vector<16xf32>,
      %mul3A_324 = arith.mulf %gather3A_313, %get3A_323 : vector<16xf32>
      %add3A_325 = arith.addf %add3A_301, %mul3A_324 : vector<16xf32>
      %mul3A_326 = arith.constant 0 : i32
      %mul3A_327 = vector.broadcast %mul3A_326 : i32 to vector<16xi32>
      %mul3A_328 = arith.muli %iota3A, %mul3A_327 : vector<16xi32>
      %add3A_329 = arith.constant 2 : i32
      %add3A_330 = vector.broadcast %add3A_329 : i32 to vector<16xi32>
      %add3A_331 = arith.addi %mul3A_328, %add3A_330 : vector<16xi32>
      %mul3A_332 = arith.constant 0 : i32
      %mul3A_333 = vector.broadcast %mul3A_332 : i32 to vector<16xi32>
      %mul3A_334 = arith.muli %iota3A, %mul3A_333 : vector<16xi32>
      %add3A_335 = vector.broadcast %scan3A_275 : i32 to vector<16xi32>
      %add3A_336 = arith.addi %mul3A_334, %add3A_335 : vector<16xi32>
      %gather3A_337 = tpu.vector_load_idx %arg5[%add3A_331, %add3A_336] : memref<8x512xf32, #tpu.memory_space<vmem>>[vector<16xi32>, vector<16xi32>], vector<16xf32>,
      %add3A_338 = arith.constant 1024 : i32
      %add3A_339 = arith.addi %add3A_338, %scan3A_275 : i32
      %get3A_340 = arith.index_cast %add3A_339 : i32 to index
      %get3A_341 = arith.constant 0 : index
      %get3A_342 = tpu.vector_load %arg7[%get3A_340, %get3A_341] {strides = array<i32>} : memref<1536x32xf32, #tpu.memory_space<vmem>>, vector<16xf32>,
      %mul3A_343 = arith.mulf %gather3A_337, %get3A_342 : vector<16xf32>
      %add3A_344 = arith.addf %add3A_320, %mul3A_343 : vector<16xf32>
      %get3A_345 = arith.index_cast %add3A_339 : i32 to index
      %get3A_346 = arith.constant 16 : index
      %get3A_347 = tpu.vector_load %arg7[%get3A_345, %get3A_346] {strides = array<i32>} : memref<1536x32xf32, #tpu.memory_space<vmem>>, vector<16xf32>,
      %mul3A_348 = arith.mulf %gather3A_337, %get3A_347 : vector<16xf32>
      %add3A_349 = arith.addf %add3A_325, %mul3A_348 : vector<16xf32>
      %swap3A = arith.index_cast %scan3A_275 : i32 to index
      %swap3A_350 = arith.constant 0 : index
      %swap3A_351 = tpu.vector_load %arg8[%swap3A, %swap3A_350] {strides = array<i32>} : memref<512x32xf32, #tpu.memory_space<vmem>>, vector<16xf32>,
      tpu.vector_store %arg8[%swap3A, %swap3A_350], %add3A_344 {strides = array<i32>} : memref<512x32xf32, #tpu.memory_space<vmem>>, vector<16xf32>,
      %swap3A_352 = arith.index_cast %scan3A_275 : i32 to index
      %swap3A_353 = arith.constant 16 : index
      %swap3A_354 = tpu.vector_load %arg8[%swap3A_352, %swap3A_353] {strides = array<i32>} : memref<512x32xf32, #tpu.memory_space<vmem>>, vector<16xf32>,
      tpu.vector_store %arg8[%swap3A_352, %swap3A_353], %add3A_349 {strides = array<i32>} : memref<512x32xf32, #tpu.memory_space<vmem>>, vector<16xf32>,
      %scan3A_355 = arith.constant 0 : i32
      scf.yield %scan3A_355 : i32
    }
    %scan3A_237 = arith.constant 128 : i32
    %dma_wait3A_238 = arith.constant 3 : i32
    %dma_wait3A_239 = arith.constant 384 : i32
    %dma_wait3A_240 = arith.constant 0 : i32
    %dma_wait3A_241 = tpu.memref_slice %arg7[%dma_wait3A_239, %dma_wait3A_240] : memref<1536x32xf32, #tpu.memory_space<vmem>> -> memref<128x32xf32, #tpu.memory_space<vmem>>
    %dma_wait3A_242 = arith.constant 0 : i32
    %dma_wait3A_243 = tpu.memref_slice %arg6[%dma_wait3A_238, %dma_wait3A_242] : memref<12x128xi32, #tpu.memory_space<vmem>> -> memref<1x128xi32, #tpu.memory_space<vmem>>
    %dma_wait3A_244 = tpu.memref_squeeze %dma_wait3A_243 : memref<1x128xi32, #tpu.memory_space<vmem>> -> memref<128xi32, #tpu.memory_space<vmem>>
    %dma_wait3A_245 = arith.constant 0 : i32
    %dma_wait3A_246 = arith.constant 0 : i32
    %dma_wait3A_247 = tpu.memref_slice %arg3[%dma_wait3A_245, %dma_wait3A_246] : memref<4096x32xf32, #tpu.memory_space<hbm>> -> memref<4096x32xf32, #tpu.memory_space<hbm>>
    tpu.wait_indirect_dma semaphore(%arg12 : memref<!tpu.dma_semaphore, #tpu.memory_space<semaphore_mem>>) src(%dma_wait3A_247 : memref<4096x32xf32, #tpu.memory_space<hbm>>) dst(%dma_wait3A_241 : memref<128x32xf32, #tpu.memory_space<vmem>>)
    %dma_wait3A_248 = arith.constant 7 : i32
    %dma_wait3A_249 = arith.constant 896 : i32
    %dma_wait3A_250 = arith.constant 0 : i32
    %dma_wait3A_251 = tpu.memref_slice %arg7[%dma_wait3A_249, %dma_wait3A_250] : memref<1536x32xf32, #tpu.memory_space<vmem>> -> memref<128x32xf32, #tpu.memory_space<vmem>>
    %dma_wait3A_252 = arith.constant 0 : i32
    %dma_wait3A_253 = tpu.memref_slice %arg6[%dma_wait3A_248, %dma_wait3A_252] : memref<12x128xi32, #tpu.memory_space<vmem>> -> memref<1x128xi32, #tpu.memory_space<vmem>>
    %dma_wait3A_254 = tpu.memref_squeeze %dma_wait3A_253 : memref<1x128xi32, #tpu.memory_space<vmem>> -> memref<128xi32, #tpu.memory_space<vmem>>
    %dma_wait3A_255 = arith.constant 0 : i32
    %dma_wait3A_256 = arith.constant 0 : i32
    %dma_wait3A_257 = tpu.memref_slice %arg3[%dma_wait3A_255, %dma_wait3A_256] : memref<4096x32xf32, #tpu.memory_space<hbm>> -> memref<4096x32xf32, #tpu.memory_space<hbm>>
    tpu.wait_indirect_dma semaphore(%arg12 : memref<!tpu.dma_semaphore, #tpu.memory_space<semaphore_mem>>) src(%dma_wait3A_257 : memref<4096x32xf32, #tpu.memory_space<hbm>>) dst(%dma_wait3A_251 : memref<128x32xf32, #tpu.memory_space<vmem>>)
    %dma_wait3A_258 = arith.constant 11 : i32
    %dma_wait3A_259 = arith.constant 1408 : i32
    %dma_wait3A_260 = arith.constant 0 : i32
    %dma_wait3A_261 = tpu.memref_slice %arg7[%dma_wait3A_259, %dma_wait3A_260] : memref<1536x32xf32, #tpu.memory_space<vmem>> -> memref<128x32xf32, #tpu.memory_space<vmem>>
    %dma_wait3A_262 = arith.constant 0 : i32
    %dma_wait3A_263 = tpu.memref_slice %arg6[%dma_wait3A_258, %dma_wait3A_262] : memref<12x128xi32, #tpu.memory_space<vmem>> -> memref<1x128xi32, #tpu.memory_space<vmem>>
    %dma_wait3A_264 = tpu.memref_squeeze %dma_wait3A_263 : memref<1x128xi32, #tpu.memory_space<vmem>> -> memref<128xi32, #tpu.memory_space<vmem>>
    %dma_wait3A_265 = arith.constant 0 : i32
    %dma_wait3A_266 = arith.constant 0 : i32
    %dma_wait3A_267 = tpu.memref_slice %arg3[%dma_wait3A_265, %dma_wait3A_266] : memref<4096x32xf32, #tpu.memory_space<hbm>> -> memref<4096x32xf32, #tpu.memory_space<hbm>>
    tpu.wait_indirect_dma semaphore(%arg12 : memref<!tpu.dma_semaphore, #tpu.memory_space<semaphore_mem>>) src(%dma_wait3A_267 : memref<4096x32xf32, #tpu.memory_space<hbm>>) dst(%dma_wait3A_261 : memref<128x32xf32, #tpu.memory_space<vmem>>)
    %scan3A_268 = arith.constant 0 : i32
    %scan3A_269 = arith.constant 384 : i32
    %scan3A_270 = arith.constant 128 : i32
    %scan3A_271 = arith.addi %scan3A_269, %scan3A_270 : i32
    %scan3A_272 = arith.constant 1 : i32
    %scan3A_273 = scf.for %scan3A_275 = %scan3A_269 to %scan3A_271 step %scan3A_272 iter_args(%scan3A_276 = %scan3A_268) -> (i32)  : i32 {
      %broadcast_in_dim3A = arith.constant 0.000000e+00 : f32
      %broadcast_in_dim3A_277 = vector.broadcast %broadcast_in_dim3A : f32 to vector<16xf32>
      %broadcast_in_dim3A_278 = arith.constant 0.000000e+00 : f32
      %broadcast_in_dim3A_279 = vector.broadcast %broadcast_in_dim3A_278 : f32 to vector<16xf32>
      %mul3A_280 = arith.constant 0 : i32
      %mul3A_281 = vector.broadcast %mul3A_280 : i32 to vector<16xi32>
      %mul3A_282 = arith.muli %iota3A, %mul3A_281 : vector<16xi32>
      %add3A_283 = arith.constant 0 : i32
      %add3A_284 = vector.broadcast %add3A_283 : i32 to vector<16xi32>
      %add3A_285 = arith.addi %mul3A_282, %add3A_284 : vector<16xi32>
      %mul3A_286 = arith.constant 0 : i32
      %mul3A_287 = vector.broadcast %mul3A_286 : i32 to vector<16xi32>
      %mul3A_288 = arith.muli %iota3A, %mul3A_287 : vector<16xi32>
      %add3A_289 = vector.broadcast %scan3A_275 : i32 to vector<16xi32>
      %add3A_290 = arith.addi %mul3A_288, %add3A_289 : vector<16xi32>
      %gather3A = tpu.vector_load_idx %arg5[%add3A_285, %add3A_290] : memref<8x512xf32, #tpu.memory_space<vmem>>[vector<16xi32>, vector<16xi32>], vector<16xf32>,
      %add3A_291 = arith.constant 0 : i32
      %add3A_292 = arith.addi %add3A_291, %scan3A_275 : i32
      %get3A = arith.index_cast %add3A_292 : i32 to index
      %get3A_293 = arith.constant 0 : index
      %get3A_294 = tpu.vector_load %arg7[%get3A, %get3A_293] {strides = array<i32>} : memref<1536x32xf32, #tpu.memory_space<vmem>>, vector<16xf32>,
      %mul3A_295 = arith.mulf %gather3A, %get3A_294 : vector<16xf32>
      %add3A_296 = arith.addf %broadcast_in_dim3A_277, %mul3A_295 : vector<16xf32>
      %get3A_297 = arith.index_cast %add3A_292 : i32 to index
      %get3A_298 = arith.constant 16 : index
      %get3A_299 = tpu.vector_load %arg7[%get3A_297, %get3A_298] {strides = array<i32>} : memref<1536x32xf32, #tpu.memory_space<vmem>>, vector<16xf32>,
      %mul3A_300 = arith.mulf %gather3A, %get3A_299 : vector<16xf32>
      %add3A_301 = arith.addf %broadcast_in_dim3A_279, %mul3A_300 : vector<16xf32>
      %mul3A_302 = arith.constant 0 : i32
      %mul3A_303 = vector.broadcast %mul3A_302 : i32 to vector<16xi32>
      %mul3A_304 = arith.muli %iota3A, %mul3A_303 : vector<16xi32>
      %add3A_305 = arith.constant 1 : i32
      %add3A_306 = vector.broadcast %add3A_305 : i32 to vector<16xi32>
      %add3A_307 = arith.addi %mul3A_304, %add3A_306 : vector<16xi32>
      %mul3A_308 = arith.constant 0 : i32
      %mul3A_309 = vector.broadcast %mul3A_308 : i32 to vector<16xi32>
      %mul3A_310 = arith.muli %iota3A, %mul3A_309 : vector<16xi32>
      %add3A_311 = vector.broadcast %scan3A_275 : i32 to vector<16xi32>
      %add3A_312 = arith.addi %mul3A_310, %add3A_311 : vector<16xi32>
      %gather3A_313 = tpu.vector_load_idx %arg5[%add3A_307, %add3A_312] : memref<8x512xf32, #tpu.memory_space<vmem>>[vector<16xi32>, vector<16xi32>], vector<16xf32>,
      %add3A_314 = arith.constant 512 : i32
      %add3A_315 = arith.addi %add3A_314, %scan3A_275 : i32
      %get3A_316 = arith.index_cast %add3A_315 : i32 to index
      %get3A_317 = arith.constant 0 : index
      %get3A_318 = tpu.vector_load %arg7[%get3A_316, %get3A_317] {strides = array<i32>} : memref<1536x32xf32, #tpu.memory_space<vmem>>, vector<16xf32>,
      %mul3A_319 = arith.mulf %gather3A_313, %get3A_318 : vector<16xf32>
      %add3A_320 = arith.addf %add3A_296, %mul3A_319 : vector<16xf32>
      %get3A_321 = arith.index_cast %add3A_315 : i32 to index
      %get3A_322 = arith.constant 16 : index
      %get3A_323 = tpu.vector_load %arg7[%get3A_321, %get3A_322] {strides = array<i32>} : memref<1536x32xf32, #tpu.memory_space<vmem>>, vector<16xf32>,
      %mul3A_324 = arith.mulf %gather3A_313, %get3A_323 : vector<16xf32>
      %add3A_325 = arith.addf %add3A_301, %mul3A_324 : vector<16xf32>
      %mul3A_326 = arith.constant 0 : i32
      %mul3A_327 = vector.broadcast %mul3A_326 : i32 to vector<16xi32>
      %mul3A_328 = arith.muli %iota3A, %mul3A_327 : vector<16xi32>
      %add3A_329 = arith.constant 2 : i32
      %add3A_330 = vector.broadcast %add3A_329 : i32 to vector<16xi32>
      %add3A_331 = arith.addi %mul3A_328, %add3A_330 : vector<16xi32>
      %mul3A_332 = arith.constant 0 : i32
      %mul3A_333 = vector.broadcast %mul3A_332 : i32 to vector<16xi32>
      %mul3A_334 = arith.muli %iota3A, %mul3A_333 : vector<16xi32>
      %add3A_335 = vector.broadcast %scan3A_275 : i32 to vector<16xi32>
      %add3A_336 = arith.addi %mul3A_334, %add3A_335 : vector<16xi32>
      %gather3A_337 = tpu.vector_load_idx %arg5[%add3A_331, %add3A_336] : memref<8x512xf32, #tpu.memory_space<vmem>>[vector<16xi32>, vector<16xi32>], vector<16xf32>,
      %add3A_338 = arith.constant 1024 : i32
      %add3A_339 = arith.addi %add3A_338, %scan3A_275 : i32
      %get3A_340 = arith.index_cast %add3A_339 : i32 to index
      %get3A_341 = arith.constant 0 : index
      %get3A_342 = tpu.vector_load %arg7[%get3A_340, %get3A_341] {strides = array<i32>} : memref<1536x32xf32, #tpu.memory_space<vmem>>, vector<16xf32>,
      %mul3A_343 = arith.mulf %gather3A_337, %get3A_342 : vector<16xf32>
      %add3A_344 = arith.addf %add3A_320, %mul3A_343 : vector<16xf32>
      %get3A_345 = arith.index_cast %add3A_339 : i32 to index
      %get3A_346 = arith.constant 16 : index
      %get3A_347 = tpu.vector_load %arg7[%get3A_345, %get3A_346] {strides = array<i32>} : memref<1536x32xf32, #tpu.memory_space<vmem>>, vector<16xf32>,
      %mul3A_348 = arith.mulf %gather3A_337, %get3A_347 : vector<16xf32>
      %add3A_349 = arith.addf %add3A_325, %mul3A_348 : vector<16xf32>
      %swap3A = arith.index_cast %scan3A_275 : i32 to index
      %swap3A_350 = arith.constant 0 : index
      %swap3A_351 = tpu.vector_load %arg8[%swap3A, %swap3A_350] {strides = array<i32>} : memref<512x32xf32, #tpu.memory_space<vmem>>, vector<16xf32>,
      tpu.vector_store %arg8[%swap3A, %swap3A_350], %add3A_344 {strides = array<i32>} : memref<512x32xf32, #tpu.memory_space<vmem>>, vector<16xf32>,
      %swap3A_352 = arith.index_cast %scan3A_275 : i32 to index
      %swap3A_353 = arith.constant 16 : index
      %swap3A_354 = tpu.vector_load %arg8[%swap3A_352, %swap3A_353] {strides = array<i32>} : memref<512x32xf32, #tpu.memory_space<vmem>>, vector<16xf32>,
      tpu.vector_store %arg8[%swap3A_352, %swap3A_353], %add3A_349 {strides = array<i32>} : memref<512x32xf32, #tpu.memory_space<vmem>>, vector<16xf32>,
      %scan3A_355 = arith.constant 0 : i32
      scf.yield %scan3A_355 : i32
    }
    %scan3A_274 = arith.constant 128 : i32
    "tpu.region"() ({
      %run_scoped3A = tpu.sem_alloc : memref<!tpu.dma_semaphore, #tpu.memory_space<semaphore_mem>>
      %dma_start3A_275 = arith.constant 0 : i32
      %dma_start3A_276 = tpu.memref_slice %arg4[%mul3A_2, %dma_start3A_275] : memref<16384x32xf32, #tpu.memory_space<hbm>> -> memref<512x32xf32, #tpu.memory_space<hbm>>
      %dma_start3A_277 = arith.constant 0 : i32
      %dma_start3A_278 = tpu.memref_slice %arg4[%mul3A_2, %dma_start3A_277] : memref<16384x32xf32, #tpu.memory_space<hbm>> -> memref<512x32xf32, #tpu.memory_space<hbm>>
      tpu.enqueue_dma source(%arg8 : memref<512x32xf32, #tpu.memory_space<vmem>>) target(%dma_start3A_278 : memref<512x32xf32, #tpu.memory_space<hbm>>) target_semaphore(%run_scoped3A : memref<!tpu.dma_semaphore, #tpu.memory_space<semaphore_mem>>)
      %dma_wait3A_279 = arith.constant 0 : i32
      %dma_wait3A_280 = tpu.memref_slice %arg4[%mul3A_2, %dma_wait3A_279] : memref<16384x32xf32, #tpu.memory_space<hbm>> -> memref<512x32xf32, #tpu.memory_space<hbm>>
      %dma_wait3A_281 = arith.constant 0 : i32
      %dma_wait3A_282 = tpu.memref_slice %arg4[%mul3A_2, %dma_wait3A_281] : memref<16384x32xf32, #tpu.memory_space<hbm>> -> memref<512x32xf32, #tpu.memory_space<hbm>>
      tpu.wait_dma2 semaphore(%run_scoped3A : memref<!tpu.dma_semaphore, #tpu.memory_space<semaphore_mem>>) src(%arg8 : memref<512x32xf32, #tpu.memory_space<vmem>>) dst(%dma_wait3A_282 : memref<512x32xf32, #tpu.memory_space<hbm>>)
      tpu.yield
    }) : () -> ()
    return
  }
}

module attributes {stable_mosaic.version = 14 : i64} {
  func.func @_knn_body(%arg0: i32, %arg1: i32, %arg2: memref<1024x4xf32, #tpu.memory_space<vmem>>, %arg3: memref<1024x4xf32, #tpu.memory_space<vmem>>, %arg4: memref<8x1024xf32, #tpu.memory_space<vmem>>) attributes {dimension_semantics = [#tpu.dimension_semantics<arbitrary>, #tpu.dimension_semantics<arbitrary>], iteration_bounds = array<i64: 4, 4>, scalar_prefetch = 0 : i64, scratch_operands = 0 : i64, tpu.core_type = #tpu.core_type<tc>, window_params = [{transform_indices = @transform_0, window_bounds = array<i64: 1024, 4>}, {transform_indices = @transform_1, window_bounds = array<i64: 1024, 4>}, {transform_indices = @transform_2, window_bounds = array<i64: 8, 1024>}]} {
    %get3A = arith.constant 0 : index
    %get3A_0 = arith.constant 1 : index
    %get3A_1 = vector.load %arg2[%get3A, %get3A_0] : memref<1024x4xf32, #tpu.memory_space<vmem>>, vector<1024x1xf32>
    %get3A_2 = arith.constant 0 : index
    %get3A_3 = arith.constant 2 : index
    %get3A_4 = vector.load %arg2[%get3A_2, %get3A_3] : memref<1024x4xf32, #tpu.memory_space<vmem>>, vector<1024x1xf32>
    %get3A_5 = arith.constant 0 : index
    %get3A_6 = arith.constant 3 : index
    %get3A_7 = vector.load %arg2[%get3A_5, %get3A_6] : memref<1024x4xf32, #tpu.memory_space<vmem>>, vector<1024x1xf32>
    %get3A_8 = arith.constant 0 : index
    %get3A_9 = arith.constant 0 : index
    %get3A_10 = vector.load %arg3[%get3A_8, %get3A_9] : memref<1024x4xf32, #tpu.memory_space<vmem>>, vector<1024x4xf32>
    %transpose3A = tpu.transpose %get3A_10, [1, 0] : vector<1024x4xf32> -> vector<4x1024xf32>
    %slice3A = vector.extract_strided_slice %transpose3A {offsets = [1, 0], sizes = [1, 1024], strides = [1, 1]} : vector<4x1024xf32> to vector<1x1024xf32>
    %slice3A_11 = vector.extract_strided_slice %transpose3A {offsets = [2, 0], sizes = [1, 1024], strides = [1, 1]} : vector<4x1024xf32> to vector<1x1024xf32>
    %slice3A_12 = vector.extract_strided_slice %transpose3A {offsets = [3, 0], sizes = [1, 1024], strides = [1, 1]} : vector<4x1024xf32> to vector<1x1024xf32>
    %sub3A = vector.broadcast %get3A_1 : vector<1024x1xf32> to vector<1024x1024xf32>
    %sub3A_13 = vector.broadcast %slice3A : vector<1x1024xf32> to vector<1024x1024xf32>
    %sub3A_14 = arith.subf %sub3A, %sub3A_13 : vector<1024x1024xf32>
    %integer_pow3A = arith.mulf %sub3A_14, %sub3A_14 : vector<1024x1024xf32>
    %sub3A_15 = vector.broadcast %get3A_4 : vector<1024x1xf32> to vector<1024x1024xf32>
    %sub3A_16 = vector.broadcast %slice3A_11 : vector<1x1024xf32> to vector<1024x1024xf32>
    %sub3A_17 = arith.subf %sub3A_15, %sub3A_16 : vector<1024x1024xf32>
    %integer_pow3A_18 = arith.mulf %sub3A_17, %sub3A_17 : vector<1024x1024xf32>
    %add3A = arith.addf %integer_pow3A, %integer_pow3A_18 : vector<1024x1024xf32>
    %sub3A_19 = vector.broadcast %get3A_7 : vector<1024x1xf32> to vector<1024x1024xf32>
    %sub3A_20 = vector.broadcast %slice3A_12 : vector<1x1024xf32> to vector<1024x1024xf32>
    %sub3A_21 = arith.subf %sub3A_19, %sub3A_20 : vector<1024x1024xf32>
    %integer_pow3A_22 = arith.mulf %sub3A_21, %sub3A_21 : vector<1024x1024xf32>
    %add3A_23 = arith.addf %add3A, %integer_pow3A_22 : vector<1024x1024xf32>
    %iota3A = tpu.iota {dimensions = array<i32: 1>} : vector<1x1024xi32>
    %convert_element_type3A = arith.sitofp %iota3A : vector<1x1024xi32> to vector<1x1024xf32>
    %reduce_min3A = arith.constant dense<0x7F800000> : vector<1024xf32>
    %reduce_min3A_24 = vector.multi_reduction <minimumf>, %add3A_23, %reduce_min3A [1] : vector<1024x1024xf32> to vector<1024xf32>
    %broadcast_in_dim3A = vector.shape_cast %reduce_min3A_24 : vector<1024xf32> to vector<1024x1xf32>
    %eq3A = vector.broadcast %broadcast_in_dim3A : vector<1024x1xf32> to vector<1024x1024xf32>
    %eq3A_25 = arith.cmpf oeq, %add3A_23, %eq3A : vector<1024x1024xf32>
    %jit3A = arith.constant 1.024000e+03 : f32
    %broadcast_in_dim3A_26 = vector.shape_cast %convert_element_type3A : vector<1x1024xf32> to vector<1x1024xf32>
    %broadcast_in_dim3A_27 = vector.broadcast %broadcast_in_dim3A_26 : vector<1x1024xf32> to vector<1024x1024xf32>
    %broadcast_in_dim3A_28 = vector.broadcast %jit3A : f32 to vector<1024x1024xf32>
    %select_n3A = arith.select %eq3A_25, %broadcast_in_dim3A_27, %broadcast_in_dim3A_28 : vector<1024x1024xi1>, vector<1024x1024xf32>
    %reduce_min3A_29 = arith.constant dense<0x7F800000> : vector<1024xf32>
    %reduce_min3A_30 = vector.multi_reduction <minimumf>, %select_n3A, %reduce_min3A_29 [1] : vector<1024x1024xf32> to vector<1024xf32>
    %broadcast_in_dim3A_31 = vector.shape_cast %reduce_min3A_30 : vector<1024xf32> to vector<1024x1xf32>
    %eq3A_32 = vector.broadcast %convert_element_type3A : vector<1x1024xf32> to vector<1024x1024xf32>
    %eq3A_33 = vector.broadcast %broadcast_in_dim3A_31 : vector<1024x1xf32> to vector<1024x1024xf32>
    %eq3A_34 = arith.cmpf oeq, %eq3A_32, %eq3A_33 : vector<1024x1024xf32>
    %jit3A_35 = arith.constant 0x7F800000 : f32
    %broadcast_in_dim3A_36 = vector.broadcast %jit3A_35 : f32 to vector<1024x1024xf32>
    %select_n3A_37 = arith.select %eq3A_34, %broadcast_in_dim3A_36, %add3A_23 : vector<1024x1024xi1>, vector<1024x1024xf32>
    %reduce_min3A_38 = arith.constant dense<0x7F800000> : vector<1024xf32>
    %reduce_min3A_39 = vector.multi_reduction <minimumf>, %select_n3A_37, %reduce_min3A_38 [1] : vector<1024x1024xf32> to vector<1024xf32>
    %broadcast_in_dim3A_40 = vector.shape_cast %reduce_min3A_39 : vector<1024xf32> to vector<1024x1xf32>
    %eq3A_41 = vector.broadcast %broadcast_in_dim3A_40 : vector<1024x1xf32> to vector<1024x1024xf32>
    %eq3A_42 = arith.cmpf oeq, %select_n3A_37, %eq3A_41 : vector<1024x1024xf32>
    %jit3A_43 = arith.constant 1.024000e+03 : f32
    %broadcast_in_dim3A_44 = vector.shape_cast %convert_element_type3A : vector<1x1024xf32> to vector<1x1024xf32>
    %broadcast_in_dim3A_45 = vector.broadcast %broadcast_in_dim3A_44 : vector<1x1024xf32> to vector<1024x1024xf32>
    %broadcast_in_dim3A_46 = vector.broadcast %jit3A_43 : f32 to vector<1024x1024xf32>
    %select_n3A_47 = arith.select %eq3A_42, %broadcast_in_dim3A_45, %broadcast_in_dim3A_46 : vector<1024x1024xi1>, vector<1024x1024xf32>
    %reduce_min3A_48 = arith.constant dense<0x7F800000> : vector<1024xf32>
    %reduce_min3A_49 = vector.multi_reduction <minimumf>, %select_n3A_47, %reduce_min3A_48 [1] : vector<1024x1024xf32> to vector<1024xf32>
    %broadcast_in_dim3A_50 = vector.shape_cast %reduce_min3A_49 : vector<1024xf32> to vector<1024x1xf32>
    %eq3A_51 = vector.broadcast %convert_element_type3A : vector<1x1024xf32> to vector<1024x1024xf32>
    %eq3A_52 = vector.broadcast %broadcast_in_dim3A_50 : vector<1024x1xf32> to vector<1024x1024xf32>
    %eq3A_53 = arith.cmpf oeq, %eq3A_51, %eq3A_52 : vector<1024x1024xf32>
    %jit3A_54 = arith.constant 0x7F800000 : f32
    %broadcast_in_dim3A_55 = vector.broadcast %jit3A_54 : f32 to vector<1024x1024xf32>
    %select_n3A_56 = arith.select %eq3A_53, %broadcast_in_dim3A_55, %select_n3A_37 : vector<1024x1024xi1>, vector<1024x1024xf32>
    %reduce_min3A_57 = arith.constant dense<0x7F800000> : vector<1024xf32>
    %reduce_min3A_58 = vector.multi_reduction <minimumf>, %select_n3A_56, %reduce_min3A_57 [1] : vector<1024x1024xf32> to vector<1024xf32>
    %broadcast_in_dim3A_59 = vector.shape_cast %reduce_min3A_58 : vector<1024xf32> to vector<1024x1xf32>
    %eq3A_60 = vector.broadcast %broadcast_in_dim3A_59 : vector<1024x1xf32> to vector<1024x1024xf32>
    %eq3A_61 = arith.cmpf oeq, %select_n3A_56, %eq3A_60 : vector<1024x1024xf32>
    %jit3A_62 = arith.constant 1.024000e+03 : f32
    %broadcast_in_dim3A_63 = vector.shape_cast %convert_element_type3A : vector<1x1024xf32> to vector<1x1024xf32>
    %broadcast_in_dim3A_64 = vector.broadcast %broadcast_in_dim3A_63 : vector<1x1024xf32> to vector<1024x1024xf32>
    %broadcast_in_dim3A_65 = vector.broadcast %jit3A_62 : f32 to vector<1024x1024xf32>
    %select_n3A_66 = arith.select %eq3A_61, %broadcast_in_dim3A_64, %broadcast_in_dim3A_65 : vector<1024x1024xi1>, vector<1024x1024xf32>
    %reduce_min3A_67 = arith.constant dense<0x7F800000> : vector<1024xf32>
    %reduce_min3A_68 = vector.multi_reduction <minimumf>, %select_n3A_66, %reduce_min3A_67 [1] : vector<1024x1024xf32> to vector<1024xf32>
    %broadcast_in_dim3A_69 = vector.shape_cast %reduce_min3A_68 : vector<1024xf32> to vector<1024x1xf32>
    %max3A = arith.constant 1.000000e-10 : f32
    %max3A_70 = vector.broadcast %max3A : f32 to vector<1024x1xf32>
    %max3A_71 = arith.maximumf %broadcast_in_dim3A, %max3A_70 : vector<1024x1xf32>
    %max3A_72 = arith.constant 1.000000e-10 : f32
    %max3A_73 = vector.broadcast %max3A_72 : f32 to vector<1024x1xf32>
    %max3A_74 = arith.maximumf %broadcast_in_dim3A_40, %max3A_73 : vector<1024x1xf32>
    %max3A_75 = arith.constant 1.000000e-10 : f32
    %max3A_76 = vector.broadcast %max3A_75 : f32 to vector<1024x1xf32>
    %max3A_77 = arith.maximumf %broadcast_in_dim3A_59, %max3A_76 : vector<1024x1xf32>
    %div3A = arith.constant 1.000000e+00 : f32
    %div3A_78 = vector.broadcast %div3A : f32 to vector<1024x1xf32>
    %div3A_79 = arith.divf %div3A_78, %max3A_71 : vector<1024x1xf32>
    %div3A_80 = arith.constant 1.000000e+00 : f32
    %div3A_81 = vector.broadcast %div3A_80 : f32 to vector<1024x1xf32>
    %div3A_82 = arith.divf %div3A_81, %max3A_74 : vector<1024x1xf32>
    %div3A_83 = arith.constant 1.000000e+00 : f32
    %div3A_84 = vector.broadcast %div3A_83 : f32 to vector<1024x1xf32>
    %div3A_85 = arith.divf %div3A_84, %max3A_77 : vector<1024x1xf32>
    %add3A_86 = arith.addf %div3A_79, %div3A_82 : vector<1024x1xf32>
    %add3A_87 = arith.addf %add3A_86, %div3A_85 : vector<1024x1xf32>
    %div3A_88 = arith.divf %div3A_79, %add3A_87 : vector<1024x1xf32>
    %div3A_89 = arith.divf %div3A_82, %add3A_87 : vector<1024x1xf32>
    %div3A_90 = arith.divf %div3A_85, %add3A_87 : vector<1024x1xf32>
    %mul3A = arith.constant 1024 : i32
    %mul3A_91 = arith.muli %arg0, %mul3A : i32
    %convert_element_type3A_92 = arith.sitofp %mul3A_91 : i32 to f32
    %broadcast_in_dim3A_93 = arith.constant 0.000000e+00 : f32
    %broadcast_in_dim3A_94 = vector.broadcast %broadcast_in_dim3A_93 : f32 to vector<1024x1xf32>
    %add3A_95 = vector.broadcast %convert_element_type3A_92 : f32 to vector<1024x1xf32>
    %add3A_96 = arith.addf %broadcast_in_dim3A_31, %add3A_95 : vector<1024x1xf32>
    %add3A_97 = vector.broadcast %convert_element_type3A_92 : f32 to vector<1024x1xf32>
    %add3A_98 = arith.addf %broadcast_in_dim3A_50, %add3A_97 : vector<1024x1xf32>
    %add3A_99 = vector.broadcast %convert_element_type3A_92 : f32 to vector<1024x1xf32>
    %add3A_100 = arith.addf %broadcast_in_dim3A_69, %add3A_99 : vector<1024x1xf32>
    %concatenate3A = tpu.concatenate %div3A_88, %div3A_89, %div3A_90, %add3A_96, %add3A_98, %add3A_100, %broadcast_in_dim3A_94, %broadcast_in_dim3A_94 in 1 : vector<1024x1xf32>, vector<1024x1xf32>, vector<1024x1xf32>, vector<1024x1xf32>, vector<1024x1xf32>, vector<1024x1xf32>, vector<1024x1xf32>, vector<1024x1xf32> -> vector<1024x8xf32>
    %transpose3A_101 = tpu.transpose %concatenate3A, [1, 0] : vector<1024x8xf32> -> vector<8x1024xf32>
    %swap3A = arith.constant 0 : index
    %swap3A_102 = arith.constant 0 : index
    %swap3A_103 = vector.load %arg4[%swap3A, %swap3A_102] : memref<8x1024xf32, #tpu.memory_space<vmem>>, vector<8x1024xf32>
    tpu.vector_store %arg4[%swap3A, %swap3A_102], %transpose3A_101 {strides = array<i32>} : memref<8x1024xf32, #tpu.memory_space<vmem>>, vector<8x1024xf32>,
    return
  }
  func.func @transform_0(%arg0: i32, %arg1: i32) -> (i32, i32) {
    %mul3A = arith.constant 4 : i32
    %mul3A_0 = arith.muli %arg0, %mul3A : i32
    %add3A = arith.addi %mul3A_0, %arg1 : i32
    %c0_i32 = arith.constant 0 : i32
    %c0_i32_1 = arith.constant 0 : i32
    return %add3A, %c0_i32 : i32, i32
  }
  func.func @transform_1(%arg0: i32, %arg1: i32) -> (i32, i32) {
    %c0_i32 = arith.constant 0 : i32
    %c0_i32_0 = arith.constant 0 : i32
    return %arg0, %c0_i32 : i32, i32
  }
  func.func @transform_2(%arg0: i32, %arg1: i32) -> (i32, i32) {
    %mul3A = arith.constant 4 : i32
    %mul3A_0 = arith.muli %arg0, %mul3A : i32
    %add3A = arith.addi %mul3A_0, %arg1 : i32
    %c0_i32 = arith.constant 0 : i32
    %c0_i32_1 = arith.constant 0 : i32
    return %c0_i32, %add3A : i32, i32
  }
}

module attributes {stable_mosaic.version = 14 : i64} {
  func.func @_mlp_body(%arg0: i32, %arg1: i32, %arg2: memref<4096x32xf32, #tpu.memory_space<vmem>>, %arg3: memref<32x64xf32, #tpu.memory_space<vmem>>, %arg4: memref<1x64xf32, #tpu.memory_space<vmem>>, %arg5: memref<1x64xf32, #tpu.memory_space<vmem>>, %arg6: memref<1x64xf32, #tpu.memory_space<vmem>>, %arg7: memref<64x64xf32, #tpu.memory_space<vmem>>, %arg8: memref<1x64xf32, #tpu.memory_space<vmem>>, %arg9: memref<1x64xf32, #tpu.memory_space<vmem>>, %arg10: memref<1x64xf32, #tpu.memory_space<vmem>>, %arg11: memref<4096x64xf32, #tpu.memory_space<vmem>>, %arg12: memref<16384x64xf32, #tpu.memory_space<vmem>>, %arg13: memref<16384x64xf32, #tpu.memory_space<vmem>>, %arg14: memref<4x64xf32, #tpu.memory_space<vmem>>) attributes {dimension_semantics = [#tpu.dimension_semantics<arbitrary>, #tpu.dimension_semantics<arbitrary>], iteration_bounds = array<i64: 3, 4>, scalar_prefetch = 0 : i64, scratch_operands = 3 : i64, tpu.core_type = #tpu.core_type<tc>, window_params = [{transform_indices = @transform_0, window_bounds = array<i64: 4096, 32>}, {pipeline_mode = #tpu.pipeline_mode<synchronous>, transform_indices = @transform_1, window_bounds = array<i64: 32, 64>}, {pipeline_mode = #tpu.pipeline_mode<synchronous>, transform_indices = @transform_2, window_bounds = array<i64: 1, 64>}, {pipeline_mode = #tpu.pipeline_mode<synchronous>, transform_indices = @transform_3, window_bounds = array<i64: 1, 64>}, {pipeline_mode = #tpu.pipeline_mode<synchronous>, transform_indices = @transform_4, window_bounds = array<i64: 1, 64>}, {pipeline_mode = #tpu.pipeline_mode<synchronous>, transform_indices = @transform_5, window_bounds = array<i64: 64, 64>}, {pipeline_mode = #tpu.pipeline_mode<synchronous>, transform_indices = @transform_6, window_bounds = array<i64: 1, 64>}, {pipeline_mode = #tpu.pipeline_mode<synchronous>, transform_indices = @transform_7, window_bounds = array<i64: 1, 64>}, {pipeline_mode = #tpu.pipeline_mode<synchronous>, transform_indices = @transform_8, window_bounds = array<i64: 1, 64>}, {transform_indices = @transform_9, window_bounds = array<i64: 4096, 64>}]} {
    %mul3A = arith.constant 4096 : i32
    %mul3A_0 = arith.muli %arg1, %mul3A : i32
    %eq3A = arith.constant 0 : i32
    %eq3A_1 = arith.cmpi eq, %arg0, %eq3A : i32
    %convert_element_type3A = arith.extui %eq3A_1 : i1 to i32
    %cond3A = arith.constant 0 : i32
    %cond3A_2 = arith.cmpi ne, %convert_element_type3A, %cond3A : i32
    scf.if %cond3A_2 {
      %eq3A_15 = arith.constant 0 : i32
      %eq3A_16 = arith.cmpi eq, %arg1, %eq3A_15 : i32
      %convert_element_type3A_17 = arith.extui %eq3A_16 : i1 to i32
      %cond3A_18 = arith.constant 0 : i32
      %cond3A_19 = arith.cmpi ne, %convert_element_type3A_17, %cond3A_18 : i32
      scf.if %cond3A_19 {
        %broadcast_in_dim3A_51 = arith.constant 0.000000e+00 : f32
        %broadcast_in_dim3A_52 = vector.broadcast %broadcast_in_dim3A_51 : f32 to vector<4x64xf32>
        %swap3A_53 = arith.constant 0 : index
        %swap3A_54 = arith.constant 0 : index
        %swap3A_55 = vector.load %arg14[%swap3A_53, %swap3A_54] : memref<4x64xf32, #tpu.memory_space<vmem>>, vector<4x64xf32>
        tpu.vector_store %arg14[%swap3A_53, %swap3A_54], %broadcast_in_dim3A_52 {strides = array<i32>} : memref<4x64xf32, #tpu.memory_space<vmem>>, vector<4x64xf32>,
      } else {
      }
      %get3A = arith.constant 0 : index
      %get3A_20 = arith.constant 0 : index
      %get3A_21 = vector.load %arg2[%get3A, %get3A_20] : memref<4096x32xf32, #tpu.memory_space<vmem>>, vector<4096x32xf32>
      %get3A_22 = arith.constant 0 : index
      %get3A_23 = arith.constant 0 : index
      %get3A_24 = vector.load %arg3[%get3A_22, %get3A_23] : memref<32x64xf32, #tpu.memory_space<vmem>>, vector<32x64xf32>
      %dot_general3A = arith.constant dense<0.000000e+00> : vector<4096x64xf32>
      %dot_general3A_25 = tpu.matmul %get3A_21, %get3A_24, %dot_general3A {dimension_numbers = #tpu.dot_dimension_numbers<[1], [0], [0], [1], [0, 0, 1, 1], [], []>, transpose_lhs_hint = false} : vector<4096x32xf32>, vector<32x64xf32>, vector<4096x64xf32> -> vector<4096x64xf32>
      %get3A_26 = arith.constant 0 : index
      %get3A_27 = arith.constant 0 : index
      %get3A_28 = vector.load %arg4[%get3A_26, %get3A_27] : memref<1x64xf32, #tpu.memory_space<vmem>>, vector<1x64xf32>
      %add3A = vector.broadcast %get3A_28 : vector<1x64xf32> to vector<4096x64xf32>
      %add3A_29 = arith.addf %dot_general3A_25, %add3A : vector<4096x64xf32>
      %swap3A = arith.index_cast %mul3A_0 : i32 to index
      %swap3A_30 = arith.constant 0 : index
      %swap3A_31 = vector.load %arg12[%swap3A, %swap3A_30] : memref<16384x64xf32, #tpu.memory_space<vmem>>, vector<4096x64xf32>
      tpu.vector_store %arg12[%swap3A, %swap3A_30], %add3A_29 {strides = array<i32>} : memref<16384x64xf32, #tpu.memory_space<vmem>>, vector<4096x64xf32>,
      %get3A_32 = arith.constant 0 : index
      %get3A_33 = arith.constant 0 : index
      %get3A_34 = vector.load %arg14[%get3A_32, %get3A_33] : memref<4x64xf32, #tpu.memory_space<vmem>>, vector<1x64xf32>
      %reduce_sum3A = arith.constant dense<0.000000e+00> : vector<64xf32>
      %reduce_sum3A_35 = vector.multi_reduction <add>, %add3A_29, %reduce_sum3A [0] : vector<4096x64xf32> to vector<64xf32>
      %broadcast_in_dim3A = vector.shape_cast %reduce_sum3A_35 : vector<64xf32> to vector<1x64xf32>
      %add3A_36 = arith.addf %get3A_34, %broadcast_in_dim3A : vector<1x64xf32>
      %swap3A_37 = arith.constant 0 : index
      %swap3A_38 = arith.constant 0 : index
      %swap3A_39 = vector.load %arg14[%swap3A_37, %swap3A_38] : memref<4x64xf32, #tpu.memory_space<vmem>>, vector<1x64xf32>
      tpu.vector_store %arg14[%swap3A_37, %swap3A_38], %add3A_36 {strides = array<i32>} : memref<4x64xf32, #tpu.memory_space<vmem>>, vector<1x64xf32>,
      %get3A_40 = arith.constant 1 : index
      %get3A_41 = arith.constant 0 : index
      %get3A_42 = vector.load %arg14[%get3A_40, %get3A_41] : memref<4x64xf32, #tpu.memory_space<vmem>>, vector<1x64xf32>
      %mul3A_43 = arith.mulf %add3A_29, %add3A_29 : vector<4096x64xf32>
      %reduce_sum3A_44 = arith.constant dense<0.000000e+00> : vector<64xf32>
      %reduce_sum3A_45 = vector.multi_reduction <add>, %mul3A_43, %reduce_sum3A_44 [0] : vector<4096x64xf32> to vector<64xf32>
      %broadcast_in_dim3A_46 = vector.shape_cast %reduce_sum3A_45 : vector<64xf32> to vector<1x64xf32>
      %add3A_47 = arith.addf %get3A_42, %broadcast_in_dim3A_46 : vector<1x64xf32>
      %swap3A_48 = arith.constant 1 : index
      %swap3A_49 = arith.constant 0 : index
      %swap3A_50 = vector.load %arg14[%swap3A_48, %swap3A_49] : memref<4x64xf32, #tpu.memory_space<vmem>>, vector<1x64xf32>
      tpu.vector_store %arg14[%swap3A_48, %swap3A_49], %add3A_47 {strides = array<i32>} : memref<4x64xf32, #tpu.memory_space<vmem>>, vector<1x64xf32>,
    } else {
    }
    %eq3A_3 = arith.constant 1 : i32
    %eq3A_4 = arith.cmpi eq, %arg0, %eq3A_3 : i32
    %convert_element_type3A_5 = arith.extui %eq3A_4 : i1 to i32
    %cond3A_6 = arith.constant 6.10351563E-5 : f32
    %cond3A_7 = arith.constant 0 : i32
    %cond3A_8 = arith.cmpi ne, %convert_element_type3A_5, %cond3A_7 : i32
    scf.if %cond3A_8 {
      %get3A = arith.constant 0 : index
      %get3A_15 = arith.constant 0 : index
      %get3A_16 = vector.load %arg14[%get3A, %get3A_15] : memref<4x64xf32, #tpu.memory_space<vmem>>, vector<1x64xf32>
      %mul3A_17 = vector.broadcast %cond3A_6 : f32 to vector<1x64xf32>
      %mul3A_18 = arith.mulf %get3A_16, %mul3A_17 : vector<1x64xf32>
      %get3A_19 = arith.constant 1 : index
      %get3A_20 = arith.constant 0 : index
      %get3A_21 = vector.load %arg14[%get3A_19, %get3A_20] : memref<4x64xf32, #tpu.memory_space<vmem>>, vector<1x64xf32>
      %mul3A_22 = vector.broadcast %cond3A_6 : f32 to vector<1x64xf32>
      %mul3A_23 = arith.mulf %get3A_21, %mul3A_22 : vector<1x64xf32>
      %mul3A_24 = arith.mulf %mul3A_18, %mul3A_18 : vector<1x64xf32>
      %sub3A = arith.subf %mul3A_23, %mul3A_24 : vector<1x64xf32>
      %get3A_25 = arith.index_cast %mul3A_0 : i32 to index
      %get3A_26 = arith.constant 0 : index
      %get3A_27 = vector.load %arg12[%get3A_25, %get3A_26] : memref<16384x64xf32, #tpu.memory_space<vmem>>, vector<4096x64xf32>
      %sub3A_28 = vector.broadcast %mul3A_18 : vector<1x64xf32> to vector<4096x64xf32>
      %sub3A_29 = arith.subf %get3A_27, %sub3A_28 : vector<4096x64xf32>
      %add3A = arith.constant 9.99999974E-6 : f32
      %add3A_30 = vector.broadcast %add3A : f32 to vector<1x64xf32>
      %add3A_31 = arith.addf %sub3A, %add3A_30 : vector<1x64xf32>
      %sqrt3A = math.sqrt %add3A_31 : vector<1x64xf32>
      %div3A = vector.broadcast %sqrt3A : vector<1x64xf32> to vector<4096x64xf32>
      %div3A_32 = arith.divf %sub3A_29, %div3A : vector<4096x64xf32>
      %get3A_33 = arith.constant 0 : index
      %get3A_34 = arith.constant 0 : index
      %get3A_35 = vector.load %arg5[%get3A_33, %get3A_34] : memref<1x64xf32, #tpu.memory_space<vmem>>, vector<1x64xf32>
      %mul3A_36 = vector.broadcast %get3A_35 : vector<1x64xf32> to vector<4096x64xf32>
      %mul3A_37 = arith.mulf %div3A_32, %mul3A_36 : vector<4096x64xf32>
      %get3A_38 = arith.constant 0 : index
      %get3A_39 = arith.constant 0 : index
      %get3A_40 = vector.load %arg6[%get3A_38, %get3A_39] : memref<1x64xf32, #tpu.memory_space<vmem>>, vector<1x64xf32>
      %add3A_41 = vector.broadcast %get3A_40 : vector<1x64xf32> to vector<4096x64xf32>
      %add3A_42 = arith.addf %mul3A_37, %add3A_41 : vector<4096x64xf32>
      %max3A = arith.constant 0.000000e+00 : f32
      %max3A_43 = vector.broadcast %max3A : f32 to vector<4096x64xf32>
      %max3A_44 = arith.maximumf %add3A_42, %max3A_43 : vector<4096x64xf32>
      %get3A_45 = arith.constant 0 : index
      %get3A_46 = arith.constant 0 : index
      %get3A_47 = vector.load %arg7[%get3A_45, %get3A_46] : memref<64x64xf32, #tpu.memory_space<vmem>>, vector<64x64xf32>
      %dot_general3A = arith.constant dense<0.000000e+00> : vector<4096x64xf32>
      %dot_general3A_48 = tpu.matmul %max3A_44, %get3A_47, %dot_general3A {dimension_numbers = #tpu.dot_dimension_numbers<[1], [0], [0], [1], [0, 0, 1, 1], [], []>, transpose_lhs_hint = false} : vector<4096x64xf32>, vector<64x64xf32>, vector<4096x64xf32> -> vector<4096x64xf32>
      %get3A_49 = arith.constant 0 : index
      %get3A_50 = arith.constant 0 : index
      %get3A_51 = vector.load %arg8[%get3A_49, %get3A_50] : memref<1x64xf32, #tpu.memory_space<vmem>>, vector<1x64xf32>
      %add3A_52 = vector.broadcast %get3A_51 : vector<1x64xf32> to vector<4096x64xf32>
      %add3A_53 = arith.addf %dot_general3A_48, %add3A_52 : vector<4096x64xf32>
      %swap3A = arith.index_cast %mul3A_0 : i32 to index
      %swap3A_54 = arith.constant 0 : index
      %swap3A_55 = vector.load %arg13[%swap3A, %swap3A_54] : memref<16384x64xf32, #tpu.memory_space<vmem>>, vector<4096x64xf32>
      tpu.vector_store %arg13[%swap3A, %swap3A_54], %add3A_53 {strides = array<i32>} : memref<16384x64xf32, #tpu.memory_space<vmem>>, vector<4096x64xf32>,
      %eq3A_56 = arith.constant 0 : i32
      %eq3A_57 = arith.cmpi eq, %arg1, %eq3A_56 : i32
      %convert_element_type3A_58 = arith.extui %eq3A_57 : i1 to i32
      %cond3A_59 = arith.constant 0 : i32
      %cond3A_60 = arith.cmpi ne, %convert_element_type3A_58, %cond3A_59 : i32
      scf.if %cond3A_60 {
        %broadcast_in_dim3A_80 = arith.constant 0.000000e+00 : f32
        %broadcast_in_dim3A_81 = vector.broadcast %broadcast_in_dim3A_80 : f32 to vector<1x64xf32>
        %swap3A_82 = arith.constant 2 : index
        %swap3A_83 = arith.constant 0 : index
        %swap3A_84 = vector.load %arg14[%swap3A_82, %swap3A_83] : memref<4x64xf32, #tpu.memory_space<vmem>>, vector<1x64xf32>
        tpu.vector_store %arg14[%swap3A_82, %swap3A_83], %broadcast_in_dim3A_81 {strides = array<i32>} : memref<4x64xf32, #tpu.memory_space<vmem>>, vector<1x64xf32>,
        %broadcast_in_dim3A_85 = arith.constant 0.000000e+00 : f32
        %broadcast_in_dim3A_86 = vector.broadcast %broadcast_in_dim3A_85 : f32 to vector<1x64xf32>
        %swap3A_87 = arith.constant 3 : index
        %swap3A_88 = arith.constant 0 : index
        %swap3A_89 = vector.load %arg14[%swap3A_87, %swap3A_88] : memref<4x64xf32, #tpu.memory_space<vmem>>, vector<1x64xf32>
        tpu.vector_store %arg14[%swap3A_87, %swap3A_88], %broadcast_in_dim3A_86 {strides = array<i32>} : memref<4x64xf32, #tpu.memory_space<vmem>>, vector<1x64xf32>,
      } else {
      }
      %get3A_61 = arith.constant 2 : index
      %get3A_62 = arith.constant 0 : index
      %get3A_63 = vector.load %arg14[%get3A_61, %get3A_62] : memref<4x64xf32, #tpu.memory_space<vmem>>, vector<1x64xf32>
      %reduce_sum3A = arith.constant dense<0.000000e+00> : vector<64xf32>
      %reduce_sum3A_64 = vector.multi_reduction <add>, %add3A_53, %reduce_sum3A [0] : vector<4096x64xf32> to vector<64xf32>
      %broadcast_in_dim3A = vector.shape_cast %reduce_sum3A_64 : vector<64xf32> to vector<1x64xf32>
      %add3A_65 = arith.addf %get3A_63, %broadcast_in_dim3A : vector<1x64xf32>
      %swap3A_66 = arith.constant 2 : index
      %swap3A_67 = arith.constant 0 : index
      %swap3A_68 = vector.load %arg14[%swap3A_66, %swap3A_67] : memref<4x64xf32, #tpu.memory_space<vmem>>, vector<1x64xf32>
      tpu.vector_store %arg14[%swap3A_66, %swap3A_67], %add3A_65 {strides = array<i32>} : memref<4x64xf32, #tpu.memory_space<vmem>>, vector<1x64xf32>,
      %get3A_69 = arith.constant 3 : index
      %get3A_70 = arith.constant 0 : index
      %get3A_71 = vector.load %arg14[%get3A_69, %get3A_70] : memref<4x64xf32, #tpu.memory_space<vmem>>, vector<1x64xf32>
      %mul3A_72 = arith.mulf %add3A_53, %add3A_53 : vector<4096x64xf32>
      %reduce_sum3A_73 = arith.constant dense<0.000000e+00> : vector<64xf32>
      %reduce_sum3A_74 = vector.multi_reduction <add>, %mul3A_72, %reduce_sum3A_73 [0] : vector<4096x64xf32> to vector<64xf32>
      %broadcast_in_dim3A_75 = vector.shape_cast %reduce_sum3A_74 : vector<64xf32> to vector<1x64xf32>
      %add3A_76 = arith.addf %get3A_71, %broadcast_in_dim3A_75 : vector<1x64xf32>
      %swap3A_77 = arith.constant 3 : index
      %swap3A_78 = arith.constant 0 : index
      %swap3A_79 = vector.load %arg14[%swap3A_77, %swap3A_78] : memref<4x64xf32, #tpu.memory_space<vmem>>, vector<1x64xf32>
      tpu.vector_store %arg14[%swap3A_77, %swap3A_78], %add3A_76 {strides = array<i32>} : memref<4x64xf32, #tpu.memory_space<vmem>>, vector<1x64xf32>,
    } else {
    }
    %eq3A_9 = arith.constant 2 : i32
    %eq3A_10 = arith.cmpi eq, %arg0, %eq3A_9 : i32
    %convert_element_type3A_11 = arith.extui %eq3A_10 : i1 to i32
    %cond3A_12 = arith.constant 6.10351563E-5 : f32
    %cond3A_13 = arith.constant 0 : i32
    %cond3A_14 = arith.cmpi ne, %convert_element_type3A_11, %cond3A_13 : i32
    scf.if %cond3A_14 {
      %get3A = arith.constant 2 : index
      %get3A_15 = arith.constant 0 : index
      %get3A_16 = vector.load %arg14[%get3A, %get3A_15] : memref<4x64xf32, #tpu.memory_space<vmem>>, vector<1x64xf32>
      %mul3A_17 = vector.broadcast %cond3A_12 : f32 to vector<1x64xf32>
      %mul3A_18 = arith.mulf %get3A_16, %mul3A_17 : vector<1x64xf32>
      %get3A_19 = arith.constant 3 : index
      %get3A_20 = arith.constant 0 : index
      %get3A_21 = vector.load %arg14[%get3A_19, %get3A_20] : memref<4x64xf32, #tpu.memory_space<vmem>>, vector<1x64xf32>
      %mul3A_22 = vector.broadcast %cond3A_12 : f32 to vector<1x64xf32>
      %mul3A_23 = arith.mulf %get3A_21, %mul3A_22 : vector<1x64xf32>
      %mul3A_24 = arith.mulf %mul3A_18, %mul3A_18 : vector<1x64xf32>
      %sub3A = arith.subf %mul3A_23, %mul3A_24 : vector<1x64xf32>
      %get3A_25 = arith.index_cast %mul3A_0 : i32 to index
      %get3A_26 = arith.constant 0 : index
      %get3A_27 = vector.load %arg13[%get3A_25, %get3A_26] : memref<16384x64xf32, #tpu.memory_space<vmem>>, vector<4096x64xf32>
      %sub3A_28 = vector.broadcast %mul3A_18 : vector<1x64xf32> to vector<4096x64xf32>
      %sub3A_29 = arith.subf %get3A_27, %sub3A_28 : vector<4096x64xf32>
      %add3A = arith.constant 9.99999974E-6 : f32
      %add3A_30 = vector.broadcast %add3A : f32 to vector<1x64xf32>
      %add3A_31 = arith.addf %sub3A, %add3A_30 : vector<1x64xf32>
      %sqrt3A = math.sqrt %add3A_31 : vector<1x64xf32>
      %div3A = vector.broadcast %sqrt3A : vector<1x64xf32> to vector<4096x64xf32>
      %div3A_32 = arith.divf %sub3A_29, %div3A : vector<4096x64xf32>
      %get3A_33 = arith.constant 0 : index
      %get3A_34 = arith.constant 0 : index
      %get3A_35 = vector.load %arg9[%get3A_33, %get3A_34] : memref<1x64xf32, #tpu.memory_space<vmem>>, vector<1x64xf32>
      %mul3A_36 = vector.broadcast %get3A_35 : vector<1x64xf32> to vector<4096x64xf32>
      %mul3A_37 = arith.mulf %div3A_32, %mul3A_36 : vector<4096x64xf32>
      %get3A_38 = arith.constant 0 : index
      %get3A_39 = arith.constant 0 : index
      %get3A_40 = vector.load %arg10[%get3A_38, %get3A_39] : memref<1x64xf32, #tpu.memory_space<vmem>>, vector<1x64xf32>
      %add3A_41 = vector.broadcast %get3A_40 : vector<1x64xf32> to vector<4096x64xf32>
      %add3A_42 = arith.addf %mul3A_37, %add3A_41 : vector<4096x64xf32>
      %max3A = arith.constant 0.000000e+00 : f32
      %max3A_43 = vector.broadcast %max3A : f32 to vector<4096x64xf32>
      %max3A_44 = arith.maximumf %add3A_42, %max3A_43 : vector<4096x64xf32>
      %swap3A = arith.constant 0 : index
      %swap3A_45 = arith.constant 0 : index
      %swap3A_46 = vector.load %arg11[%swap3A, %swap3A_45] : memref<4096x64xf32, #tpu.memory_space<vmem>>, vector<4096x64xf32>
      tpu.vector_store %arg11[%swap3A, %swap3A_45], %max3A_44 {strides = array<i32>} : memref<4096x64xf32, #tpu.memory_space<vmem>>, vector<4096x64xf32>,
    } else {
    }
    return
  }
  func.func @transform_0(%arg0: i32, %arg1: i32) -> (i32, i32) {
    %eq3A = arith.constant 0 : i32
    %eq3A_0 = arith.cmpi eq, %arg0, %eq3A : i32
    %jit3A = arith.constant 0 : i32
    %select_n3A = arith.select %eq3A_0, %arg1, %jit3A : i32
    %c0_i32 = arith.constant 0 : i32
    %c0_i32_1 = arith.constant 0 : i32
    return %select_n3A, %c0_i32 : i32, i32
  }
  func.func @transform_1(%arg0: i32, %arg1: i32) -> (i32, i32) {
    %c0_i32 = arith.constant 0 : i32
    %c0_i32_0 = arith.constant 0 : i32
    %c0_i32_1 = arith.constant 0 : i32
    return %c0_i32, %c0_i32_0 : i32, i32
  }
  func.func @transform_2(%arg0: i32, %arg1: i32) -> (i32, i32) {
    %c0_i32 = arith.constant 0 : i32
    %c0_i32_0 = arith.constant 0 : i32
    %c0_i32_1 = arith.constant 0 : i32
    return %c0_i32, %c0_i32_0 : i32, i32
  }
  func.func @transform_3(%arg0: i32, %arg1: i32) -> (i32, i32) {
    %c0_i32 = arith.constant 0 : i32
    %c0_i32_0 = arith.constant 0 : i32
    %c0_i32_1 = arith.constant 0 : i32
    return %c0_i32, %c0_i32_0 : i32, i32
  }
  func.func @transform_4(%arg0: i32, %arg1: i32) -> (i32, i32) {
    %c0_i32 = arith.constant 0 : i32
    %c0_i32_0 = arith.constant 0 : i32
    %c0_i32_1 = arith.constant 0 : i32
    return %c0_i32, %c0_i32_0 : i32, i32
  }
  func.func @transform_5(%arg0: i32, %arg1: i32) -> (i32, i32) {
    %c0_i32 = arith.constant 0 : i32
    %c0_i32_0 = arith.constant 0 : i32
    %c0_i32_1 = arith.constant 0 : i32
    return %c0_i32, %c0_i32_0 : i32, i32
  }
  func.func @transform_6(%arg0: i32, %arg1: i32) -> (i32, i32) {
    %c0_i32 = arith.constant 0 : i32
    %c0_i32_0 = arith.constant 0 : i32
    %c0_i32_1 = arith.constant 0 : i32
    return %c0_i32, %c0_i32_0 : i32, i32
  }
  func.func @transform_7(%arg0: i32, %arg1: i32) -> (i32, i32) {
    %c0_i32 = arith.constant 0 : i32
    %c0_i32_0 = arith.constant 0 : i32
    %c0_i32_1 = arith.constant 0 : i32
    return %c0_i32, %c0_i32_0 : i32, i32
  }
  func.func @transform_8(%arg0: i32, %arg1: i32) -> (i32, i32) {
    %c0_i32 = arith.constant 0 : i32
    %c0_i32_0 = arith.constant 0 : i32
    %c0_i32_1 = arith.constant 0 : i32
    return %c0_i32, %c0_i32_0 : i32, i32
  }
  func.func @transform_9(%arg0: i32, %arg1: i32) -> (i32, i32) {
    %eq3A = arith.constant 2 : i32
    %eq3A_0 = arith.cmpi eq, %arg0, %eq3A : i32
    %jit3A = arith.constant 0 : i32
    %select_n3A = arith.select %eq3A_0, %arg1, %jit3A : i32
    %c0_i32 = arith.constant 0 : i32
    %c0_i32_1 = arith.constant 0 : i32
    return %select_n3A, %c0_i32 : i32, i32
  }
}

</mosaic_0001>

<sc_bundles>
// kernel: kernel.5.cloned.1.call-start
scs
__scs_entry_jumppad:
0x0: {  	(pc) =	sbr.rel $0x88, $3  }
0x1: {  	(tag) =	ssettag $0x0;
	lr =	simm.s32 $0x1  }
0x2: {  	[smem:$0x3F96] =	sst lr;
	_ =	strace $0xD0000000  }
0x3: {  	_ = 	snop  }
0x4: {  	_ = 	snop  }
0x5: {  	_ = 	snop  }
0x6: {  	_ = 	snop  }
0x7: {  	_ = 	snop  }
__scs_overlays_trampoline_lowered:
0x8: {  	[smem:$0x3FA5] =	sst s0  }
0x9: {  	[smem:$0x3FA6] =	sst s1  }
0xa: {  	[smem:$0x3FA7] =	sst s2  }
0xb: {  	[smem:$0x3FA8] =	sst s3  }
0xc: {  	[smem:$0x3FA9] =	sst s4  }
0xd: {  	[smem:$0x3FAA] =	sst s5  }
0xe: {  	[smem:$0x3FAB] =	sst s6  }
0xf: {  	[smem:$0x3FAC] =	sst s7  }
0x10: {  	[smem:$0x3FAD] =	sst s8  }
0x11: {  	[smem:$0x3FAE] =	sst s9;
	s0 =	simm.s32 @!p0 $0x0  }
0x12: {  	s1 =	sld [smem:$0x3F94];
	s0 =	simm.s32 @p0 $0x1  }
0x13: {  	[smem:$0x3FAF] =	sst s0;
	s0 =	simm.s32 @!p1 $0x0  }
0x14: {  	s2 =	sld [smem:$0x3F93];
	s0 =	simm.s32 @p1 $0x1  }
0x15: {  	[smem:$0x3FB0] =	sst s0;
	s0 =	simm.s32 @!p2 $0x0  }
0x16: {  	s3 =	sld [smem:$0x3FDB];
	s0 =	simm.s32 @p2 $0x1  }
0x17: {  	s4 =	simm.s32 $0x1BF5;
	[smem:$0x3FB2] =	sst s0  }
0x18: {  	s0 =	sld [smem:$0x3F95];
	_ =	swait.ge [sflag:s4], $0x0  }
0x19: {  	s7 =	sld [smem:$0x3F96]  }
0x1a: {  	s8 =	sadd.s32 $0xFFFFE003, lr  }
0x1b: {  	s9 =	sadd.s32 $0xFFFFFEF7, lr;
	s5 =	simm.s32 $0xFFFFFFFF;
	p2 =	slt.u32 s8, $0xFFFFF086  }
0x1c: {  	p1 =	slt.u32 s9, $0xF7A;
	s5 =	simm.s32 @!p2 $0x0  }
0x1d: {  	s5 =	simm.s32 @p1 $0x1;
	p0 =	seq.s32 s7, s2  }
0x1e: {  	s7 =	smul.u32 @!p0 $0xF7A, s2;
	p2 =	seq.s32 @!p0 s5, $0x0  }
0x1f: {  	s9 =	smul.u32 $0xF7A, s1;
	s8 =	simm.s32 @!p0 $0x1BF5;
	p2 =	por !p2, p0  }
0x20: {  	[sflag:s8] =	ssyncset.s32 @!p0 $0xFFFFF086;
	s6 =	sadd.s32 @!p0 s3, s7;
	s7 =	simm.s32 @!p0 $0x108  }
0x21: {  	s3 =	sadd.s32 s3, s9;
	s6 =	sadd.s32 @!p0 $0x88, s6;
	s7 =	simm.s32 @p2 $0x1082  }
0x22: {  	[simem:s7], [sflag:s8] =	dma.local @!p0 [hbm:s6], $0xF7A  }
0x23: {  	s9 =	sor.u32 $0xD0000000, s2;
	s6 =	simm.s32 $0x108;
	_ =	swait.ge @!p0 [sflag:s8], $0x0  }
0x24: {  	s3 =	sadd.s32 $0x88, s3;
	s6 =	simm.s32 @!p1 $0x1082;
	[sflag:s4] =	ssyncset.s32 $0xFFFFF086  }
0x25: {  	[simem:s6], [sflag:s4] =	dma.local [hbm:s3], $0xF7A  }
0x26: {  	[smem:$0x3F96] =	sst s1;
	(tag) =	ssettag s2;
	_ =	strace s9  }
0x27: {  	s1 =	sld [smem:$0x3FA6]  }
0x28: {  	s2 =	sld [smem:$0x3FA7]  }
0x29: {  	s4 =	sld [smem:$0x3FA9]  }
0x2a: {  	p0 =	seq.s32 s5, $0x0;
	s5 =	sld [smem:$0x3FAA]  }
0x2b: {  	s6 =	sld [smem:$0x3FAB]  }
0x2c: {  	s7 =	sld [smem:$0x3FAC]  }
0x2d: {  	s3 =	simm.s32 $0x108;
	s8 =	sld [smem:$0x3FAD]  }
0x2e: {  	s3 =	simm.s32 @!p0 $0x1082;
	s9 =	sld [smem:$0x3FAE]  }
0x2f: {  	lr =	sadd.s32 s0, s3;
	s0 =	sld [smem:$0x3FA5]  }
0x30: {  	s3 =	sld [smem:$0x3FA8]  }
0x31: {  	[smem:$0x3FB1] =	sst s10  }
0x32: {  	s10 =	sld [smem:$0x3FAF];
	_ =	sdelay $0x3  }
0x33: {  	p0 =	seq.s32 s10, $0x1;
	s10 =	sld [smem:$0x3FB1];
	_ =	sdelay $0x3  }
0x34: {  	[smem:$0x3FB1] =	sst s10  }
0x35: {  	s10 =	sld [smem:$0x3FB0];
	_ =	sdelay $0x3  }
0x36: {  	p1 =	seq.s32 s10, $0x1;
	s10 =	sld [smem:$0x3FB1];
	_ =	sdelay $0x3  }
0x37: {  	[smem:$0x3FB1] =	sst s10  }
0x38: {  	s10 =	sld [smem:$0x3FB2]  }
0x39: {  	_ = 	snop;
	(pc) =	sbr.ind lr, $3  }
0x3a: {  	_ = 	snop  }
0x3b: {  	_ = 	snop  }
0x3c: {  	p2 =	seq.s32 s10, $0x1;
	s10 =	sld [smem:$0x3FB1]  }
0x3d: {  	_ =	shalt  }
0x3e: {  	_ =	shalt  }
0x3f: {  	_ =	shalt  }
0x40: {  	_ =	shalt  }
0x41: {  	_ =	shalt  }
0x42: {  	_ =	shalt  }
0x43: {  	_ =	shalt  }
0x44: {  	_ =	shalt  }
0x45: {  	_ =	shalt  }
0x46: {  	_ =	shalt  }
0x47: {  	_ =	shalt  }
0x48: {  	_ =	shalt  }
0x49: {  	_ =	shalt  }
0x4a: {  	_ =	shalt  }
0x4b: {  	_ =	shalt  }
0x4c: {  	_ =	shalt  }
0x4d: {  	_ =	shalt  }
0x4e: {  	_ =	shalt  }
0x4f: {  	_ =	shalt  }
0x50: {  	_ =	shalt  }
0x51: {  	_ =	shalt  }
0x52: {  	_ =	shalt  }
0x53: {  	_ =	shalt  }
0x54: {  	_ =	shalt  }
0x55: {  	_ =	shalt  }
0x56: {  	_ =	shalt  }
0x57: {  	_ =	shalt  }
0x58: {  	_ =	shalt  }
0x59: {  	_ =	shalt  }
0x5a: {  	_ =	shalt  }
0x5b: {  	_ =	shalt  }
0x5c: {  	_ =	shalt  }
0x5d: {  	_ =	shalt  }
0x5e: {  	_ =	shalt  }
0x5f: {  	_ =	shalt  }
0x60: {  	_ =	shalt  }
0x61: {  	_ =	shalt  }
0x62: {  	_ =	shalt  }
0x63: {  	_ =	shalt  }
0x64: {  	_ =	shalt  }
0x65: {  	_ =	shalt  }
0x66: {  	_ =	shalt  }
0x67: {  	_ =	shalt  }
0x68: {  	_ =	shalt  }
0x69: {  	_ =	shalt  }
0x6a: {  	_ =	shalt  }
0x6b: {  	_ =	shalt  }
0x6c: {  	_ =	shalt  }
0x6d: {  	_ =	shalt  }
0x6e: {  	_ =	shalt  }
0x6f: {  	_ =	shalt  }
0x70: {  	_ =	shalt  }
0x71: {  	_ =	shalt  }
0x72: {  	_ =	shalt  }
0x73: {  	_ =	shalt  }
0x74: {  	_ =	shalt  }
0x75: {  	_ =	shalt  }
0x76: {  	_ =	shalt  }
0x77: {  	_ =	shalt  }
0x78: {  	_ =	shalt  }
0x79: {  	_ =	shalt  }
0x7a: {  	_ =	shalt  }
0x7b: {  	_ =	shalt  }
0x7c: {  	_ =	shalt  }
0x7d: {  	_ =	shalt  }
0x7e: {  	_ =	shalt  }
0x7f: {  	_ =	shalt  }
0x80: {  	_ =	shalt  }
0x81: {  	_ =	shalt  }
0x82: {  	_ =	shalt  }
0x83: {  	_ =	shalt  }
0x84: {  	_ =	shalt  }
0x85: {  	_ =	shalt  }
0x86: {  	_ =	shalt  }
0x87: {  	_ =	shalt  }
.Lfunc_end0:
.L_simem_size_0:
called_computation_lowered:
.L_overlay_start_0:
0x88: {  	s2 =	sld [smem:$0x3FD9]  }
0x89: {  	s3 =	sld [smem:$0x3FFE];
	_ =	sdelay $0x1  }
0x8a: {  	s1 =	srdreg.scid  }
0x8b: {  	s0 =	sand.u32 $0x1, s1  }
0x8c: {  	s17 =	sshll.u32 s0, $0xA;
	s2 =	sadd.s32 s3, s2  }
0x8d: {  	s2 =	sadd.s32 s2, s17  }
0x8e: {  	[smem:$0x3FBD] =	sst s2  }
0x8f: {  	_ = 	snop  }
0x90: {  	s2 =	sld [smem:$0x3FD0];
	(tm) =	ssettm $0x1  }
0x91: {  	s18 =	sld [smem:$0x3FFB];
	_ =	sdelay $0x3  }
0x92: {  	_ =	strace s18  }
0x93: {  	s3 =	sld [smem:$0x3FFC];
	_ =	sdelay $0x3  }
0x94: {  	_ =	strace s3  }
0x95: {  	s3 =	sld [smem:$0x3FFD];
	_ =	sdelay $0x3  }
0x96: {  	_ =	strace s3  }
0x97: {  	_ =	strace $0x8FFFFFFF  }
0x98: {  	s19 =	sld [smem:$0x3FDB];
	_ =	sdelay $0x1  }
0x99: {  	s4 =	simm.s32 $_scs_section_size  }
0x9a: {  	s5 =	simm.s32 $_size__tile_overlayer_lowered;
	s6 =	simm.s32 $_tile_overlayer_lowered  }
0x9b: {  	s22 =	simm.s32 $0x1BFF;
	s21 =	sshll.u32 s6, $0x1;
	s3 =	sadd.s32 s4, s19  }
0x9c: {  	s7 =	simm.s32 $0x0;
	s20 =	sshll.u32 s5, $0x1;
	s5 =	sadd.s32 s21, s3  }
0x9d: {  	[timem:s7], [sflag:s22] =	dma.local [hbm:s5], s20  }
0x9e: {  	_ =	swait.ge [sflag:s22], s20  }
0x9f: {  	s4 =	ssub.s32 $0x0, s20;
	[sflag:s22] =	ssyncset.done $0x0  }
0xa0: {  	[sflag:s22] =	ssyncadd.s32 s4;
	_ =	sdelay $0x1  }
0xa1: {  	s23 =	simm.s32 $0x1B8B  }
0xa2: {  	_ =	swait.ge [sflag:s23], $0x1  }
0xa3: {  	[sflag:s23] =	ssyncset.done $0x0  }
0xa4: {  	s25 =	simm.s32 $0x1B8E;
	s24 =	sld [smem:$0x3FFE];
	[sflag:s23] =	ssyncadd.s32 $0xFFFFFFFF  }
0xa5: {  	s26 =	simm.s32 $execute0_lowered;
	[smem:$0x3FD2] =	sst s25  }
0xa6: {  	s5 =	sshll.u32 s26, $0x1;
	_ =	strace $0x80000046;
	[dreg:$0x1] =	wrdreg $0xFFFFFFFF  }
0xa7: {  	s28 =	simm.s32 $_size_execute0_lowered;
	s3 =	sadd.s32 s3, s5;
	[dreg:$0x0] =	wrdreg $0x0  }
0xa8: {  	s5 =	sshll.u32 s28, $0x1;
	[dreg:$0x2] =	wrdreg s3  }
0xa9: {  	[dreg:$0x3] =	wrdreg s5  }
0xaa: {  	[dreg:$0x4] =	wrdreg $0xC0  }
0xab: {  	_ =	task [dreg:s7], $0x5FFFF  }
0xac: {  	[dreg:$0x1] =	wrdreg $0xFFFFFFFF  }
0xad: {  	[dreg:$0x0] =	wrdreg $0x60  }
0xae: {  	[dreg:$0x2] =	wrdreg s24  }
0xaf: {  	[dreg:$0x3] =	wrdreg s2  }
0xb0: {  	[dreg:$0x4] =	wrdreg $0x9  }
0xb1: {  	_ =	task.clear_ibuf [dreg:s7], $0x5FFFF;
	_ =	strace $0x90000046  }
0xb2: {  	s29 =	simm.s32 $0x9;
	_ =	strace $0x80000048  }
0xb3: {  	_ =	swait.ge [sflag:s29], $0x1  }
0xb4: {  	[sflag:s29] =	ssyncadd.s32 $0xFFFFFFFF  }
0xb5: {  	_ =	strace $0x90000048  }
0xb6: {  	_ =	sfence  }
0xb7: {  	s30 =	sld [smem:$0x0];
	_ =	sdelay $0x2  }
0xb8: {  	s31 =	sshll.u32 s1, $0xD;
	s1 =	sshrl.u32 s1, $0x2  }
0xb9: {  	s3 =	sand.u32 $0x4000, s31;
	s1 =	sadd.s32 s1, s30  }
0xba: {  	s0 =	sor.u32 s3, s0;
	s1 =	sshll.u32 s1, $0x11  }
0xbb: {  	s0 =	sor.u32 s1, s0  }
0xbc: {  	s0 =	sadd.s32 $0x8F2B, s0  }
0xbd: {  	[sflag:s0] =	ssyncadd.remote.s32 $0x1  }
0xbe: {  	_ =	sfence.sel $0xFFFF  }
0xbf: {  	[dreg:$0x0] =	wrdreg $0xFFFFFFFF;
	(pc) =	sbr.abs _section_cstart, $3  }
0xc0: {  	[dreg:$0x1] =	wrdreg $0xFFFFFFFF  }
0xc1: {  	_ =	task.clear_ibuf [dreg:s7], $0x2FFFF;
	_ =	strace $0x9FFFFFFF  }
0xc2: {  	(tm) =	ssettm $0x7FFFFFFF  }
0xc3: {  	_ =	shalt  }
tec
execute0_lowered:
.L_overlay_start_1:
0x0: {  	(tag) =	ssettag $0x1  }
0x1: {  	s0 =	rddreg [dreg:$0x0]  }
0x2: {  	s1 =	rddreg [dreg:$0x1];
	s2 =	srdreg.scid  }
0x3: {  	s4 =	stileid.u32;
	s9 =	simm.s32 $0x5;
	s10 =	simm.s32 $0x80  }
0x4: {  	s22 =	simm.s32 $0xA600;
	s23 =	simm.s32 $0x1100;
	s24 =	simm.s32 $0x3600  }
0x5: {  	s25 =	simm.s32 $0x1300;
	s28 =	simm.s32 $0x1500;
	s29 =	simm.s32 $0xB600  }
0x6: {  	s30 =	simm.s32 $0x1180;
	s31 =	simm.s32 $0x4600;
	s7 =	simm.s32 $0x1580  }
0x7: {  	s8 =	simm.s32 $0xC600;
	s11 =	simm.s32 $0x1;
	s12 =	simm.s32 $0x2  }
0x8: {  	s13 =	simm.s32 $0x3;
	s14 =	simm.s32 $0x4;
	s15 =	simm.s32 $0xD600  }
0x9: {  	s16 =	simm.s32 $0x0;
	s3 =	sand.u32 $0x1, s2;
	s2 =	simm.s32 $0x0  }
0xa: {  	s4 =	sshll.u32 s4, $0xA;
	s5 =	sshll.u32 s3, $0x9;
	[smem:$0x7FF] =	sst s2  }
0xb: {  	s6 =	ssub.s32 $0x2, s3;
	s3 =	sadd.s32 $0x1600, s0;
	s5 =	sor.u32 s5, s4  }
0xc: {  	_ =	strace $0x80000047;
	s26 =	sshrl.u32 s6, $0x1;
	s4 =	sshrl.u32 s5, $0x3  }
0xd: {  	s5 =	sshll.u32 s5, $0x2;
	s4 =	sadd.s32 s4, s0;
	s0 =	ssub.s32 s6, s26  }
0xe: {  	v2 =	vlaneseq.u32;
	s5 =	sadd.s32 s1, s5;
	s26 =	simm.s32 $0x7600;
	s1 =	simm.s32 $0x8600  }
0xf: {  	v0 =	vor.u32 $0x600, v2;
	v1 =	vor.u32 $0x800, v2;
	v2 =	vor.u32 $0xA00, v2;
	s4 =	sadd.s32 $0x5600, s4;
	s6 =	smax.u32 s0, $0x1;
	s0 =	simm.s32 $0x1380  }
.LBB2_1:
0x10: {  	v3 =	vor.u32 s2, v0;
	s17 =	simm.s32 $0x200;
	s18 =	simm.s32 $0x4000  }
0x11: {  	[tilespmem:s2], [sflag:$0x5] =	stream.strided.gather [hbm4b:s4+s17], $0x1000, s18, s17, $0x38;
	[tilespmem:$0x11600] =	vst v63  }
0x12: {  	_ =	swait.ge [sflag:s9], $0x1000  }
0x13: {  	[sflag:s9] =	ssyncset.done $0x0  }
0x14: {  	[sflag:s9] =	ssyncadd.s32 $0xFFFFF000  }
0x15: {  	v3 =	vld.idx.msk [tilespmem:v3+s2+$0x0], $0xffff;
	_ =	sdelay $0x3  }
0x16: {  	v4 =	vor.u32 s2, v1  }
0x17: {  	s20 =	simm.s32 $0x0;
	v3 =	vtrunc.f32 v3  }
0x18: {  	s21 =	sand.u32 $0x70, s2;
	s17 =	sand.u32 $0x180, s20;
	v3 =	vcvt.f32.s32 v3  }
0x19: {  	s20 =	sor.u32 s21, s17  }
0x1a: {  	[tilespmem:s20+$0x1000] =	vst v3  }
0x1b: {  	v3 =	vld.idx.msk [tilespmem:v4+s2+$0x0], $0xffff;
	_ =	sdelay $0x3  }
0x1c: {  	v4 =	vor.u32 s2, v2  }
0x1d: {  	v3 =	vtrunc.f32 v3  }
0x1e: {  	v3 =	vcvt.f32.s32 v3;
	_ =	sdelay $0x1  }
0x1f: {  	[tilespmem:s20+$0x1200] =	vst v3  }
0x20: {  	v4 =	vld.idx.msk [tilespmem:v4+s2+$0x0], $0xffff;
	_ =	sdelay $0x2  }
0x21: {  	s17 =	simm.s32 $0x10  }
0x22: {  	s19 =	simm.s32 $0x80;
	s18 =	simm.s32 $0x40;
	v3 =	vor.u32 s17, v0  }
.LBB2_2:
0x23: {  	p0 =	sne.s32 s19, $0x7C0;
	v4 =	vtrunc.f32 v4  }
0x24: {  	v4 =	vcvt.f32.s32 v4;
	_ =	sdelay $0x1  }
0x25: {  	[tilespmem:s20+$0x1400] =	vst v4  }
0x26: {  	v3 =	vld.idx.msk [tilespmem:v3+s2+$0x0], $0xffff;
	_ =	sdelay $0x4  }
0x27: {  	v4 =	vor.u32 s17, v1  }
0x28: {  	s20 =	sshrl.u32 s18, $0x2;
	s18 =	smov.u32 s19;
	v3 =	vtrunc.f32 v3  }
0x29: {  	s21 =	sand.u32 $0x70, s17;
	s20 =	sand.u32 $0x180, s20;
	v3 =	vcvt.f32.s32 v3  }
0x2a: {  	s20 =	sor.u32 s21, s20  }
0x2b: {  	[tilespmem:s20+$0x1000] =	vst v3  }
0x2c: {  	v3 =	vld.idx.msk [tilespmem:v4+s2+$0x0], $0xffff;
	_ =	sdelay $0x4  }
0x2d: {  	v4 =	vor.u32 s17, v2  }
0x2e: {  	v3 =	vtrunc.f32 v3  }
0x2f: {  	v3 =	vcvt.f32.s32 v3;
	_ =	sdelay $0x1  }
0x30: {  	[tilespmem:s20+$0x1200] =	vst v3  }
0x31: {  	v4 =	vld.idx.msk [tilespmem:v4+s2+$0x0], $0xffff  }
.Ltmp0:
0x32: {  	(pc) =	sbr.rel @p0 .LBB2_2-.Ltmp0, $3  }
0x33: {  	_ =	sdelay $0x1  }
0x34: {  	s17 =	sadd.s32 $0x10, s17  }
0x35: {  	s19 =	sadd.s32 $0x40, s19;
	v3 =	vor.u32 s17, v0  }
0x36: {  	v4 =	vtrunc.f32 v4  }
0x37: {  	v4 =	vcvt.f32.s32 v4;
	_ =	sdelay $0x1  }
0x38: {  	[tilespmem:s20+$0x1400] =	vst v4  }
0x39: {  	v3 =	vld.idx.msk [tilespmem:v3+s2+$0x0], $0xffff;
	_ =	sdelay $0x3  }
0x3a: {  	v4 =	vor.u32 s17, v1  }
0x3b: {  	s18 =	sshrl.u32 s18, $0x2;
	v3 =	vtrunc.f32 v3  }
0x3c: {  	s19 =	sand.u32 $0x70, s17;
	s18 =	sand.u32 $0x180, s18;
	v3 =	vcvt.f32.s32 v3  }
0x3d: {  	s18 =	sor.u32 s19, s18  }
0x3e: {  	[tilespmem:s18+$0x1000] =	vst v3  }
0x3f: {  	v3 =	vld.idx.msk [tilespmem:v4+s2+$0x0], $0xffff;
	_ =	sdelay $0x3  }
0x40: {  	v4 =	vor.u32 s17, v2  }
0x41: {  	v3 =	vtrunc.f32 v3  }
0x42: {  	v3 =	vcvt.f32.s32 v3;
	_ =	sdelay $0x1  }
0x43: {  	[tilespmem:s18+$0x1200] =	vst v3  }
0x44: {  	v3 =	vld.idx.msk [tilespmem:v4+s2+$0x0], $0xffff;
	_ =	sdelay $0x4  }
0x45: {  	v3 =	vtrunc.f32 v3  }
0x46: {  	v3 =	vcvt.f32.s32 v3;
	_ =	sdelay $0x1  }
0x47: {  	s19 =	simm.s32 $0x1600;
	[tilespmem:s18+$0x1400] =	vst v3;
	s18 =	simm.s32 $0x1000  }
0x48: {  	[tilespmem:s19], [sflag:$0x1] =	stream.indirect.gather [hbm4b:s3+s10], $0x20, s18, s10, $0xb8;
	[tilespmem:$0x11600] =	vst v63  }
0x49: {  	s21 =	simm.s32 $0x5600;
	s20 =	simm.s32 $0x1200  }
0x4a: {  	[tilespmem:s21], [sflag:$0x1] =	stream.indirect.gather [hbm4b:s3+s10], $0x20, s20, s10, $0xb8;
	[tilespmem:$0x11600] =	vst v63  }
0x4b: {  	s18 =	simm.s32 $0x1400;
	s19 =	simm.s32 $0x9600  }
0x4c: {  	[tilespmem:s19], [sflag:$0x1] =	stream.indirect.gather [hbm4b:s3+s10], $0x20, s18, s10, $0xb8;
	[tilespmem:$0x11600] =	vst v63  }
0x4d: {  	s20 =	simm.s32 $0x1080;
	s21 =	simm.s32 $0x2600  }
0x4e: {  	[tilespmem:s21], [sflag:$0x2] =	stream.indirect.gather [hbm4b:s3+s10], $0x20, s20, s10, $0xb8;
	[tilespmem:$0x11600] =	vst v63  }
0x4f: {  	s18 =	simm.s32 $0x1280;
	s19 =	simm.s32 $0x6600  }
0x50: {  	[tilespmem:s19], [sflag:$0x2] =	stream.indirect.gather [hbm4b:s3+s10], $0x20, s18, s10, $0xb8;
	[tilespmem:$0x11600] =	vst v63  }
0x51: {  	s20 =	simm.s32 $0x1480  }
0x52: {  	[tilespmem:s22], [sflag:$0x2] =	stream.indirect.gather [hbm4b:s3+s10], $0x20, s20, s10, $0xb8;
	[tilespmem:$0x11600] =	vst v63  }
0x53: {  	_ = 	snop  }
0x54: {  	[tilespmem:s24], [sflag:$0x3] =	stream.indirect.gather [hbm4b:s3+s10], $0x20, s23, s10, $0xb8;
	[tilespmem:$0x11600] =	vst v63  }
0x55: {  	_ = 	snop  }
0x56: {  	[tilespmem:s26], [sflag:$0x3] =	stream.indirect.gather [hbm4b:s3+s10], $0x20, s25, s10, $0xb8;
	[tilespmem:$0x11600] =	vst v63  }
0x57: {  	_ = 	snop  }
0x58: {  	[tilespmem:s29], [sflag:$0x3] =	stream.indirect.gather [hbm4b:s3+s10], $0x20, s28, s10, $0xb8;
	[tilespmem:$0x11600] =	vst v63  }
0x59: {  	_ = 	snop  }
0x5a: {  	[tilespmem:s31], [sflag:$0x4] =	stream.indirect.gather [hbm4b:s3+s10], $0x20, s30, s10, $0xb8;
	[tilespmem:$0x11600] =	vst v63  }
0x5b: {  	_ = 	snop  }
0x5c: {  	[tilespmem:s1], [sflag:$0x4] =	stream.indirect.gather [hbm4b:s3+s10], $0x20, s0, s10, $0xb8;
	[tilespmem:$0x11600] =	vst v63  }
0x5d: {  	_ = 	snop  }
0x5e: {  	[tilespmem:s8], [sflag:$0x4] =	stream.indirect.gather [hbm4b:s3+s10], $0x20, s7, s10, $0xb8;
	[tilespmem:$0x11600] =	vst v63  }
0x5f: {  	_ =	swait.ge [sflag:s11], $0x1000  }
0x60: {  	[sflag:s11] =	ssyncset.done $0x0  }
0x61: {  	[sflag:s11] =	ssyncadd.s32 $0xFFFFF000  }
0x62: {  	_ =	swait.ge [sflag:s11], $0x1000  }
0x63: {  	s21 =	simm.s32 $0x0;
	[sflag:s11] =	ssyncset.done $0x0  }
0x64: {  	v3 =	vmov s21;
	[sflag:s11] =	ssyncadd.s32 $0xFFFFF000  }
0x65: {  	v4 =	vand.u32 $0x7F, v3;
	_ =	swait.ge [sflag:s11], $0x1000  }
0x66: {  	v5 =	vor.u32 $0x400, v4;
	[sflag:s11] =	ssyncset.done $0x0  }
0x67: {  	s17 =	simm.s32 $0x0;
	v4 =	vor.u32 $0x200, v4;
	[sflag:s11] =	ssyncadd.s32 $0xFFFFF000  }
0x68: {  	v6 =	vld [tilespmem:s17+$0x1600]  }
0x69: {  	v7 =	vld [tilespmem:s17+$0x1610]  }
0x6a: {  	v3 =	vld.idx.msk [tilespmem:v3+s2+$0x0], $0xffff  }
0x6b: {  	v8 =	vld.idx.msk [tilespmem:v5+s2+$0x0], $0xffff  }
0x6c: {  	v4 =	vld.idx.msk [tilespmem:v4+s2+$0x0], $0xffff  }
0x6d: {  	v5 =	vld [tilespmem:s17+$0x5610]  }
0x6e: {  	v9 =	vld [tilespmem:s17+$0x5600]  }
0x6f: {  	v10 =	vld [tilespmem:s17+$0x9610]  }
0x70: {  	v11 =	vld [tilespmem:s17+$0x9600];
	v7 =	vmul.f32 v7, v3  }
0x71: {  	v3 =	vmul.f32 v6, v3  }
0x72: {  	v5 =	vmul.f32 v5, v4;
	v6 =	vadd.f32 $0.0e+00, v7  }
0x73: {  	s18 =	simm.s32 $0x1;
	v9 =	vmul.f32 v9, v4;
	v12 =	vadd.f32 $0.0e+00, v3  }
0x74: {  	v3 =	vmov s18;
	v7 =	vmul.f32 v10, v8;
	v5 =	vadd.f32 v5, v6  }
0x75: {  	s19 =	simm.s32 $0x80;
	s20 =	simm.s32 $0x100;
	v8 =	vmul.f32 v11, v8;
	v4 =	vand.u32 $0x7F, v3;
	v6 =	vadd.f32 v9, v12  }
.LBB2_4:
0x76: {  	p0 =	sne.s32 s20, $0x3F80;
	v9 =	vor.u32 $0x400, v4;
	v5 =	vadd.f32 v7, v5  }
0x77: {  	s21 =	sshra.s32 s19, $0x2;
	v4 =	vor.u32 $0x200, v4;
	s19 =	smov.u32 s20;
	v6 =	vadd.f32 v8, v6  }
0x78: {  	v7 =	vld [tilespmem:s21+$0x1600];
	[tilespmem:s17+$0xD610] =	vst v5  }
0x79: {  	v5 =	vld [tilespmem:s21+$0x1610];
	[tilespmem:s17+$0xD600] =	vst v6;
	s17 =	smov.u32 s21  }
0x7a: {  	v3 =	vld.idx.msk [tilespmem:v3+s2+$0x0], $0xffff  }
0x7b: {  	v8 =	vld.idx.msk [tilespmem:v9+s2+$0x0], $0xffff  }
0x7c: {  	v4 =	vld.idx.msk [tilespmem:v4+s2+$0x0], $0xffff  }
0x7d: {  	v6 =	vld [tilespmem:s17+$0x5610]  }
0x7e: {  	v9 =	vld [tilespmem:s17+$0x5600]  }
0x7f: {  	v10 =	vld [tilespmem:s17+$0x9610]  }
0x80: {  	v7 =	vmul.f32 v7, v3;
	v3 =	vmul.f32 v5, v3;
	v11 =	vld [tilespmem:s17+$0x9600]  }
.Ltmp1:
0x81: {  	(pc) =	sbr.rel @p0 .LBB2_4-.Ltmp1, $4  }
0x82: {  	v12 =	vadd.f32 $0.0e+00, v7;
	v5 =	vadd.f32 $0.0e+00, v3;
	v6 =	vmul.f32 v6, v4  }
0x83: {  	s18 =	sadd.s32 $0x1, s18;
	v9 =	vmul.f32 v9, v4  }
0x84: {  	v3 =	vmov s18;
	v5 =	vadd.f32 v6, v5;
	v7 =	vmul.f32 v10, v8  }
0x85: {  	s20 =	sadd.s32 $0x80, s20;
	v4 =	vand.u32 $0x7F, v3;
	v6 =	vadd.f32 v9, v12;
	v8 =	vmul.f32 v11, v8  }
0x86: {  	v5 =	vadd.f32 v7, v5;
	v7 =	vor.u32 $0x400, v4  }
0x87: {  	s18 =	sshra.s32 s19, $0x2;
	v4 =	vor.u32 $0x200, v4;
	v6 =	vadd.f32 v8, v6  }
0x88: {  	v9 =	vld [tilespmem:s18+$0x1600];
	[tilespmem:s17+$0xD610] =	vst v5  }
0x89: {  	v5 =	vld [tilespmem:s18+$0x1610];
	[tilespmem:s17+$0xD600] =	vst v6  }
0x8a: {  	v3 =	vld.idx.msk [tilespmem:v3+s2+$0x0], $0xffff  }
0x8b: {  	v6 =	vld.idx.msk [tilespmem:v7+s2+$0x0], $0xffff  }
0x8c: {  	v4 =	vld.idx.msk [tilespmem:v4+s2+$0x0], $0xffff  }
0x8d: {  	v7 =	vld [tilespmem:s18+$0x5610]  }
0x8e: {  	v8 =	vld [tilespmem:s18+$0x5600]  }
0x8f: {  	v10 =	vld [tilespmem:s18+$0x9610]  }
0x90: {  	v11 =	vld [tilespmem:s18+$0x9600];
	v5 =	vmul.f32 v5, v3  }
0x91: {  	v3 =	vmul.f32 v9, v3  }
0x92: {  	v7 =	vmul.f32 v7, v4;
	v5 =	vadd.f32 $0.0e+00, v5  }
0x93: {  	v4 =	vmul.f32 v8, v4;
	v3 =	vadd.f32 $0.0e+00, v3  }
0x94: {  	v5 =	vadd.f32 v7, v5;
	v7 =	vmul.f32 v10, v6  }
0x95: {  	v3 =	vadd.f32 v4, v3;
	v4 =	vmul.f32 v11, v6  }
0x96: {  	v5 =	vadd.f32 v7, v5  }
0x97: {  	v3 =	vadd.f32 v4, v3  }
0x98: {  	[tilespmem:s18+$0xD610] =	vst v5  }
0x99: {  	[tilespmem:s18+$0xD600] =	vst v3  }
0x9a: {  	_ =	swait.ge [sflag:s12], $0x1000  }
0x9b: {  	[sflag:s12] =	ssyncset.done $0x0  }
0x9c: {  	[sflag:s12] =	ssyncadd.s32 $0xFFFFF000  }
0x9d: {  	_ =	swait.ge [sflag:s12], $0x1000  }
0x9e: {  	s21 =	simm.s32 $0x80;
	[sflag:s12] =	ssyncset.done $0x0  }
0x9f: {  	v3 =	vmov s21;
	[sflag:s12] =	ssyncadd.s32 $0xFFFFF000  }
0xa0: {  	v4 =	vand.u32 $0xFF, v3;
	_ =	swait.ge [sflag:s12], $0x1000  }
0xa1: {  	v5 =	vor.u32 $0x400, v4;
	[sflag:s12] =	ssyncset.done $0x0  }
0xa2: {  	s17 =	simm.s32 $0x0;
	v4 =	vor.u32 $0x200, v4;
	[sflag:s12] =	ssyncadd.s32 $0xFFFFF000  }
0xa3: {  	v6 =	vld [tilespmem:s17+$0x2600]  }
0xa4: {  	v7 =	vld [tilespmem:s17+$0x2610]  }
0xa5: {  	v3 =	vld.idx.msk [tilespmem:v3+s2+$0x0], $0xffff  }
0xa6: {  	v8 =	vld.idx.msk [tilespmem:v5+s2+$0x0], $0xffff  }
0xa7: {  	v4 =	vld.idx.msk [tilespmem:v4+s2+$0x0], $0xffff  }
0xa8: {  	v5 =	vld [tilespmem:s17+$0x6610]  }
0xa9: {  	v9 =	vld [tilespmem:s17+$0x6600]  }
0xaa: {  	v10 =	vld [tilespmem:s17+$0xA610]  }
0xab: {  	v11 =	vld [tilespmem:s17+$0xA600];
	v7 =	vmul.f32 v7, v3  }
0xac: {  	v3 =	vmul.f32 v6, v3  }
0xad: {  	v5 =	vmul.f32 v5, v4;
	v6 =	vadd.f32 $0.0e+00, v7  }
0xae: {  	s18 =	simm.s32 $0x81;
	v9 =	vmul.f32 v9, v4;
	v12 =	vadd.f32 $0.0e+00, v3  }
0xaf: {  	v3 =	vmov s18;
	v7 =	vmul.f32 v10, v8;
	v5 =	vadd.f32 v5, v6  }
0xb0: {  	s19 =	simm.s32 $0x80;
	s20 =	simm.s32 $0x100;
	v8 =	vmul.f32 v11, v8;
	v4 =	vand.u32 $0xFF, v3;
	v6 =	vadd.f32 v9, v12  }
.LBB2_6:
0xb1: {  	p0 =	sne.s32 s20, $0x3F80;
	v9 =	vor.u32 $0x400, v4;
	v5 =	vadd.f32 v7, v5  }
0xb2: {  	s21 =	sshra.s32 s19, $0x2;
	v4 =	vor.u32 $0x200, v4;
	s19 =	smov.u32 s20;
	v6 =	vadd.f32 v8, v6  }
0xb3: {  	v7 =	vld [tilespmem:s21+$0x2600];
	[tilespmem:s17+$0xE610] =	vst v5  }
0xb4: {  	v5 =	vld [tilespmem:s21+$0x2610];
	[tilespmem:s17+$0xE600] =	vst v6;
	s17 =	smov.u32 s21  }
0xb5: {  	v3 =	vld.idx.msk [tilespmem:v3+s2+$0x0], $0xffff  }
0xb6: {  	v8 =	vld.idx.msk [tilespmem:v9+s2+$0x0], $0xffff  }
0xb7: {  	v4 =	vld.idx.msk [tilespmem:v4+s2+$0x0], $0xffff  }
0xb8: {  	v6 =	vld [tilespmem:s17+$0x6610]  }
0xb9: {  	v9 =	vld [tilespmem:s17+$0x6600]  }
0xba: {  	v10 =	vld [tilespmem:s17+$0xA610]  }
0xbb: {  	v7 =	vmul.f32 v7, v3;
	v3 =	vmul.f32 v5, v3;
	v11 =	vld [tilespmem:s17+$0xA600]  }
.Ltmp2:
0xbc: {  	(pc) =	sbr.rel @p0 .LBB2_6-.Ltmp2, $4  }
0xbd: {  	v12 =	vadd.f32 $0.0e+00, v7;
	v5 =	vadd.f32 $0.0e+00, v3;
	v6 =	vmul.f32 v6, v4  }
0xbe: {  	s18 =	sadd.s32 $0x1, s18;
	v9 =	vmul.f32 v9, v4  }
0xbf: {  	v3 =	vmov s18;
	v5 =	vadd.f32 v6, v5;
	v7 =	vmul.f32 v10, v8  }
0xc0: {  	s20 =	sadd.s32 $0x80, s20;
	v4 =	vand.u32 $0xFF, v3;
	v6 =	vadd.f32 v9, v12;
	v8 =	vmul.f32 v11, v8  }
0xc1: {  	v5 =	vadd.f32 v7, v5;
	v7 =	vor.u32 $0x400, v4  }
0xc2: {  	s18 =	sshra.s32 s19, $0x2;
	v4 =	vor.u32 $0x200, v4;
	v6 =	vadd.f32 v8, v6  }
0xc3: {  	v9 =	vld [tilespmem:s18+$0x2600];
	[tilespmem:s17+$0xE610] =	vst v5  }
0xc4: {  	v5 =	vld [tilespmem:s18+$0x2610];
	[tilespmem:s17+$0xE600] =	vst v6  }
0xc5: {  	v3 =	vld.idx.msk [tilespmem:v3+s2+$0x0], $0xffff  }
0xc6: {  	v6 =	vld.idx.msk [tilespmem:v7+s2+$0x0], $0xffff  }
0xc7: {  	v4 =	vld.idx.msk [tilespmem:v4+s2+$0x0], $0xffff  }
0xc8: {  	v7 =	vld [tilespmem:s18+$0x6610]  }
0xc9: {  	v8 =	vld [tilespmem:s18+$0x6600]  }
0xca: {  	v10 =	vld [tilespmem:s18+$0xA610]  }
0xcb: {  	v11 =	vld [tilespmem:s18+$0xA600];
	v5 =	vmul.f32 v5, v3  }
0xcc: {  	v3 =	vmul.f32 v9, v3  }
0xcd: {  	v7 =	vmul.f32 v7, v4;
	v5 =	vadd.f32 $0.0e+00, v5  }
0xce: {  	v4 =	vmul.f32 v8, v4;
	v3 =	vadd.f32 $0.0e+00, v3  }
0xcf: {  	v5 =	vadd.f32 v7, v5;
	v7 =	vmul.f32 v10, v6  }
0xd0: {  	v3 =	vadd.f32 v4, v3;
	v4 =	vmul.f32 v11, v6  }
0xd1: {  	v5 =	vadd.f32 v7, v5  }
0xd2: {  	v3 =	vadd.f32 v4, v3  }
0xd3: {  	[tilespmem:s18+$0xE610] =	vst v5  }
0xd4: {  	[tilespmem:s18+$0xE600] =	vst v3  }
0xd5: {  	_ =	swait.ge [sflag:s13], $0x1000  }
0xd6: {  	[sflag:s13] =	ssyncset.done $0x0  }
0xd7: {  	[sflag:s13] =	ssyncadd.s32 $0xFFFFF000  }
0xd8: {  	_ =	swait.ge [sflag:s13], $0x1000  }
0xd9: {  	s21 =	simm.s32 $0x100;
	[sflag:s13] =	ssyncset.done $0x0  }
0xda: {  	v3 =	vmov s21;
	[sflag:s13] =	ssyncadd.s32 $0xFFFFF000  }
0xdb: {  	v4 =	vand.u32 $0x1FF, v3;
	_ =	swait.ge [sflag:s13], $0x1000  }
0xdc: {  	v5 =	vor.u32 $0x400, v4;
	[sflag:s13] =	ssyncset.done $0x0  }
0xdd: {  	s17 =	simm.s32 $0x0;
	v4 =	vor.u32 $0x200, v4;
	[sflag:s13] =	ssyncadd.s32 $0xFFFFF000  }
0xde: {  	v6 =	vld [tilespmem:s17+$0x3600]  }
0xdf: {  	v7 =	vld [tilespmem:s17+$0x3610]  }
0xe0: {  	v3 =	vld.idx.msk [tilespmem:v3+s2+$0x0], $0xffff  }
0xe1: {  	v8 =	vld.idx.msk [tilespmem:v5+s2+$0x0], $0xffff  }
0xe2: {  	v4 =	vld.idx.msk [tilespmem:v4+s2+$0x0], $0xffff  }
0xe3: {  	v5 =	vld [tilespmem:s17+$0x7610]  }
0xe4: {  	v9 =	vld [tilespmem:s17+$0x7600]  }
0xe5: {  	v10 =	vld [tilespmem:s17+$0xB610]  }
0xe6: {  	v11 =	vld [tilespmem:s17+$0xB600];
	v7 =	vmul.f32 v7, v3  }
0xe7: {  	v3 =	vmul.f32 v6, v3  }
0xe8: {  	v5 =	vmul.f32 v5, v4;
	v6 =	vadd.f32 $0.0e+00, v7  }
0xe9: {  	s18 =	simm.s32 $0x101;
	v9 =	vmul.f32 v9, v4;
	v12 =	vadd.f32 $0.0e+00, v3  }
0xea: {  	v3 =	vmov s18;
	v7 =	vmul.f32 v10, v8;
	v5 =	vadd.f32 v5, v6  }
0xeb: {  	s19 =	simm.s32 $0x80;
	s20 =	simm.s32 $0x100;
	v8 =	vmul.f32 v11, v8;
	v4 =	vand.u32 $0x1FF, v3;
	v6 =	vadd.f32 v9, v12  }
.LBB2_8:
0xec: {  	p0 =	sne.s32 s20, $0x3F80;
	v9 =	vor.u32 $0x400, v4;
	v5 =	vadd.f32 v7, v5  }
0xed: {  	s21 =	sshra.s32 s19, $0x2;
	v4 =	vor.u32 $0x200, v4;
	s19 =	smov.u32 s20;
	v6 =	vadd.f32 v8, v6  }
0xee: {  	v7 =	vld [tilespmem:s21+$0x3600];
	[tilespmem:s17+$0xF610] =	vst v5  }
0xef: {  	v5 =	vld [tilespmem:s21+$0x3610];
	[tilespmem:s17+$0xF600] =	vst v6;
	s17 =	smov.u32 s21  }
0xf0: {  	v3 =	vld.idx.msk [tilespmem:v3+s2+$0x0], $0xffff  }
0xf1: {  	v8 =	vld.idx.msk [tilespmem:v9+s2+$0x0], $0xffff  }
0xf2: {  	v4 =	vld.idx.msk [tilespmem:v4+s2+$0x0], $0xffff  }
0xf3: {  	v6 =	vld [tilespmem:s17+$0x7610]  }
0xf4: {  	v9 =	vld [tilespmem:s17+$0x7600]  }
0xf5: {  	v10 =	vld [tilespmem:s17+$0xB610]  }
0xf6: {  	v7 =	vmul.f32 v7, v3;
	v3 =	vmul.f32 v5, v3;
	v11 =	vld [tilespmem:s17+$0xB600]  }
.Ltmp3:
0xf7: {  	(pc) =	sbr.rel @p0 .LBB2_8-.Ltmp3, $4  }
0xf8: {  	v12 =	vadd.f32 $0.0e+00, v7;
	v5 =	vadd.f32 $0.0e+00, v3;
	v6 =	vmul.f32 v6, v4  }
0xf9: {  	s18 =	sadd.s32 $0x1, s18;
	v9 =	vmul.f32 v9, v4  }
0xfa: {  	v3 =	vmov s18;
	v5 =	vadd.f32 v6, v5;
	v7 =	vmul.f32 v10, v8  }
0xfb: {  	s20 =	sadd.s32 $0x80, s20;
	v4 =	vand.u32 $0x1FF, v3;
	v6 =	vadd.f32 v9, v12;
	v8 =	vmul.f32 v11, v8  }
0xfc: {  	v5 =	vadd.f32 v7, v5;
	v7 =	vor.u32 $0x400, v4  }
0xfd: {  	s18 =	sshra.s32 s19, $0x2;
	v4 =	vor.u32 $0x200, v4;
	v6 =	vadd.f32 v8, v6  }
0xfe: {  	v9 =	vld [tilespmem:s18+$0x3600];
	[tilespmem:s17+$0xF610] =	vst v5  }
0xff: {  	v5 =	vld [tilespmem:s18+$0x3610];
	[tilespmem:s17+$0xF600] =	vst v6  }
0x100: {  	v3 =	vld.idx.msk [tilespmem:v3+s2+$0x0], $0xffff  }
0x101: {  	v6 =	vld.idx.msk [tilespmem:v7+s2+$0x0], $0xffff  }
0x102: {  	v4 =	vld.idx.msk [tilespmem:v4+s2+$0x0], $0xffff  }
0x103: {  	v7 =	vld [tilespmem:s18+$0x7610]  }
0x104: {  	v8 =	vld [tilespmem:s18+$0x7600]  }
0x105: {  	v10 =	vld [tilespmem:s18+$0xB610]  }
0x106: {  	v11 =	vld [tilespmem:s18+$0xB600];
	v5 =	vmul.f32 v5, v3  }
0x107: {  	v3 =	vmul.f32 v9, v3  }
0x108: {  	v7 =	vmul.f32 v7, v4;
	v5 =	vadd.f32 $0.0e+00, v5  }
0x109: {  	v4 =	vmul.f32 v8, v4;
	v3 =	vadd.f32 $0.0e+00, v3  }
0x10a: {  	v5 =	vadd.f32 v7, v5;
	v7 =	vmul.f32 v10, v6  }
0x10b: {  	v3 =	vadd.f32 v4, v3;
	v4 =	vmul.f32 v11, v6  }
0x10c: {  	v5 =	vadd.f32 v7, v5  }
0x10d: {  	v3 =	vadd.f32 v4, v3  }
0x10e: {  	[tilespmem:s18+$0xF610] =	vst v5  }
0x10f: {  	[tilespmem:s18+$0xF600] =	vst v3  }
0x110: {  	_ =	swait.ge [sflag:s14], $0x1000  }
0x111: {  	[sflag:s14] =	ssyncset.done $0x0  }
0x112: {  	[sflag:s14] =	ssyncadd.s32 $0xFFFFF000  }
0x113: {  	_ =	swait.ge [sflag:s14], $0x1000  }
0x114: {  	s21 =	simm.s32 $0x180;
	[sflag:s14] =	ssyncset.done $0x0  }
0x115: {  	v3 =	vmov s21;
	[sflag:s14] =	ssyncadd.s32 $0xFFFFF000  }
0x116: {  	v4 =	vand.u32 $0x1FF, v3;
	_ =	swait.ge [sflag:s14], $0x1000  }
0x117: {  	v5 =	vor.u32 $0x400, v4;
	[sflag:s14] =	ssyncset.done $0x0  }
0x118: {  	s17 =	simm.s32 $0x0;
	v4 =	vor.u32 $0x200, v4;
	[sflag:s14] =	ssyncadd.s32 $0xFFFFF000  }
0x119: {  	v6 =	vld [tilespmem:s17+$0x4600]  }
0x11a: {  	v7 =	vld [tilespmem:s17+$0x4610]  }
0x11b: {  	v3 =	vld.idx.msk [tilespmem:v3+s2+$0x0], $0xffff  }
0x11c: {  	v8 =	vld.idx.msk [tilespmem:v5+s2+$0x0], $0xffff  }
0x11d: {  	v4 =	vld.idx.msk [tilespmem:v4+s2+$0x0], $0xffff  }
0x11e: {  	v5 =	vld [tilespmem:s17+$0x8610]  }
0x11f: {  	v9 =	vld [tilespmem:s17+$0x8600]  }
0x120: {  	v10 =	vld [tilespmem:s17+$0xC610]  }
0x121: {  	v11 =	vld [tilespmem:s17+$0xC600];
	v7 =	vmul.f32 v7, v3  }
0x122: {  	v3 =	vmul.f32 v6, v3  }
0x123: {  	v5 =	vmul.f32 v5, v4;
	v6 =	vadd.f32 $0.0e+00, v7  }
0x124: {  	s18 =	simm.s32 $0x181;
	v9 =	vmul.f32 v9, v4;
	v12 =	vadd.f32 $0.0e+00, v3  }
0x125: {  	v3 =	vmov s18;
	v7 =	vmul.f32 v10, v8;
	v5 =	vadd.f32 v5, v6  }
0x126: {  	s19 =	simm.s32 $0x80;
	s20 =	simm.s32 $0x100;
	v8 =	vmul.f32 v11, v8;
	v4 =	vand.u32 $0x1FF, v3;
	v6 =	vadd.f32 v9, v12  }
.LBB2_10:
0x127: {  	p0 =	sne.s32 s20, $0x3F80;
	v9 =	vor.u32 $0x400, v4;
	v5 =	vadd.f32 v7, v5  }
0x128: {  	s21 =	sshra.s32 s19, $0x2;
	v4 =	vor.u32 $0x200, v4;
	s19 =	smov.u32 s20;
	v6 =	vadd.f32 v8, v6  }
0x129: {  	v7 =	vld [tilespmem:s21+$0x4600];
	[tilespmem:s17+$0x10610] =	vst v5  }
0x12a: {  	v5 =	vld [tilespmem:s21+$0x4610];
	[tilespmem:s17+$0x10600] =	vst v6;
	s17 =	smov.u32 s21  }
0x12b: {  	v3 =	vld.idx.msk [tilespmem:v3+s2+$0x0], $0xffff  }
0x12c: {  	v8 =	vld.idx.msk [tilespmem:v9+s2+$0x0], $0xffff  }
0x12d: {  	v4 =	vld.idx.msk [tilespmem:v4+s2+$0x0], $0xffff  }
0x12e: {  	v6 =	vld [tilespmem:s17+$0x8610]  }
0x12f: {  	v9 =	vld [tilespmem:s17+$0x8600]  }
0x130: {  	v10 =	vld [tilespmem:s17+$0xC610]  }
0x131: {  	v7 =	vmul.f32 v7, v3;
	v3 =	vmul.f32 v5, v3;
	v11 =	vld [tilespmem:s17+$0xC600]  }
.Ltmp4:
0x132: {  	(pc) =	sbr.rel @p0 .LBB2_10-.Ltmp4, $4  }
0x133: {  	v12 =	vadd.f32 $0.0e+00, v7;
	v5 =	vadd.f32 $0.0e+00, v3;
	v6 =	vmul.f32 v6, v4  }
0x134: {  	s18 =	sadd.s32 $0x1, s18;
	v9 =	vmul.f32 v9, v4  }
0x135: {  	v3 =	vmov s18;
	v5 =	vadd.f32 v6, v5;
	v7 =	vmul.f32 v10, v8  }
0x136: {  	s20 =	sadd.s32 $0x80, s20;
	v4 =	vand.u32 $0x1FF, v3;
	v6 =	vadd.f32 v9, v12;
	v8 =	vmul.f32 v11, v8  }
0x137: {  	v5 =	vadd.f32 v7, v5  }
0x138: {  	s18 =	sshra.s32 s19, $0x2;
	v6 =	vadd.f32 v8, v6  }
0x139: {  	v59 =	vor.u32 $0x200, v4;
	v9 =	vld [tilespmem:s18+$0x4600];
	[tilespmem:s17+$0x10610] =	vst v5  }
0x13a: {  	v5 =	vld [tilespmem:s18+$0x4610];
	[tilespmem:s17+$0x10600] =	vst v6  }
0x13b: {  	v58 =	vor.u32 $0x400, v4;
	v3 =	vld.idx.msk [tilespmem:v3+s2+$0x0], $0xffff  }
0x13c: {  	v60 =	vld [tilespmem:s18+$0x8610]  }
0x13d: {  	v61 =	vld [tilespmem:s18+$0x8600]  }
0x13e: {  	v4 =	vld.idx.msk [tilespmem:v59+s2+$0x0], $0xffff  }
0x13f: {  	v10 =	vld [tilespmem:s18+$0xC610]  }
0x140: {  	v6 =	vld.idx.msk [tilespmem:v58+s2+$0x0], $0xffff  }
0x141: {  	v11 =	vld [tilespmem:s18+$0xC600];
	v5 =	vmul.f32 v5, v3  }
0x142: {  	v3 =	vmul.f32 v9, v3  }
0x143: {  	v7 =	vmul.f32 v60, v4;
	v5 =	vadd.f32 $0.0e+00, v5  }
0x144: {  	v4 =	vmul.f32 v61, v4;
	v3 =	vadd.f32 $0.0e+00, v3  }
0x145: {  	v62 =	vmul.f32 v10, v6;
	v5 =	vadd.f32 v7, v5  }
0x146: {  	v63 =	vmul.f32 v11, v6;
	v3 =	vadd.f32 v4, v3  }
0x147: {  	v5 =	vadd.f32 v62, v5  }
0x148: {  	s16 =	sadd.s32 $0x1, s16;
	v3 =	vadd.f32 v63, v3  }
0x149: {  	p0 =	sne.s32 s16, s6;
	[tilespmem:s18+$0x10610] =	vst v5  }
.Ltmp5:
0x14a: {  	[tilespmem:s18+$0x10600] =	vst v3;
	(pc) =	sbr.rel @p0 .LBB2_1-.Ltmp5, $4  }
0x14b: {  	[hbm4b:s5+s2] =	stream.linear.scatter [tilespmem:s15], [sflag:$0x5], $0x4000, $0x38;
	[tilespmem:$0x11600] =	vst v63  }
0x14c: {  	_ =	swait.ge [sflag:s9], $0x4000  }
0x14d: {  	[sflag:s9] =	ssyncset.done $0x0  }
0x14e: {  	[sflag:s9] =	ssyncadd.s32 $0xFFFFC000  }
0x14f: {  	_ =	sfence.sel $0x180000  }
0x150: {  	[bflag:$0x0] =	sbarrier.arrive $0xFFFF  }
0x151: {  	_ =	strace $0x90000047  }
0x152: {  	s0 =	stileid.u32;
	[bflag:$0x2] =	sbarrier.arrive $0xFFFF  }
0x153: {  	p0 =	sne.s32 s0, $0x0;
	s0 =	rddreg [dreg:$0x2]  }
0x154: {  	s0 =	sadd.s32 @!p0 $0x100000, s0  }
0x155: {  	[sflag:s0] =	ssyncadd.tile.s32 @!p0 $0x1;
	_ =	shalt  }
.Lfunc_end2:
_tile_overlayer_lowered:
.L_overlay_start_2:
0x156: {  	(tag) =	ssettag $0x2  }
0x157: {  	s0 =	rddreg [dreg:$0x0];
	s2 =	stileid.u32  }
0x158: {  	s1 =	rddreg [dreg:$0x1];
	p0 =	sne.s32 s2, $0x0  }
0x159: {  	s3 =	rddreg [dreg:$0x2];
	[bflag:$0x3] =	sbarrier.arrive $0xFFFF;
	s2 =	simm.s32 @!p0 $0x1C05  }
0x15a: {  	[timem:s3], [sflag:s2] =	dma.local @!p0 [hbm:s0], s1  }
0x15b: {  	s0 =	simm.s32 @!p0 $0x5  }
0x15c: {  	_ =	swait.ge @!p0 [sflag:s0], s1  }
0x15d: {  	s1 =	ssub.s32 @!p0 $0x0, s1;
	[sflag:s0] =	ssyncset.done @!p0 $0x0  }
0x15e: {  	[sflag:s0] =	ssyncadd.s32 @!p0 s1  }
0x15f: {  	[bflag:$0x3] =	sbarrier.arrive $0xFFFF  }
0x160: {  	_ =	shalt  }

</sc_bundles>
